<compile_context>
chip_gen: v7x
topology: tpu7x:2x2x1
jax: 0.10.2.dev20260603
libtpu: 0.0.44.dev20260713+nightly
codegen_flags: <defaults>
</compile_context>

<pallas_src>
import functools

import jax
import jax.numpy as jnp
from jax import lax
from jax.experimental import pallas as pl
from jax.experimental.pallas import tpu as pltpu
from jax.experimental.pallas import tpu_sc as plsc

N = 320000
D = 128
S = 10000
SEG_PAD = 10240
EPS = 1e-05

NC = 2
NS = 16
NW = NC * NS

GP = 80
G_PAD = GP * NW
N_PAD = G_PAD * 128
RW = N // NW
DUMMY_SEG = SEG_PAD - 1
SEG_SL = SEG_PAD // NS

_BR = 1600


def _rowstats_body(x_ref, s_ref, s2_ref):
    x = x_ref[...]
    s_ref[...] = jnp.sum(x, axis=1, keepdims=True)
    s2_ref[...] = jnp.sum(x * x, axis=1, keepdims=True)


def _row_stats(x):
    return pl.pallas_call(
        _rowstats_body,
        grid=(N // _BR,),
        in_specs=[pl.BlockSpec((_BR, D), lambda i: (i, 0))],
        out_specs=[pl.BlockSpec((_BR, 1), lambda i: (i, 0)),
                   pl.BlockSpec((_BR, 1), lambda i: (i, 0))],
        out_shape=[jax.ShapeDtypeStruct((N, 1), jnp.float32),
                   jax.ShapeDtypeStruct((N, 1), jnp.float32)],
        compiler_params=pltpu.CompilerParams(
            dimension_semantics=("parallel",)),
    )(x)


def _sc_segsum(ids2d, rs, rs2):
    mesh = plsc.VectorSubcoreMesh(core_axis_name="c", subcore_axis_name="s")

    @functools.partial(
        pl.kernel,
        out_type=jax.ShapeDtypeStruct((NC * 3 * SEG_PAD,), jnp.float32),
        mesh=mesh,
        scratch_types=[
            pltpu.VMEM((GP, 128), jnp.int32),
            pltpu.VMEM((GP * 128,), jnp.float32),
            pltpu.VMEM((GP * 128,), jnp.float32),
            pltpu.VMEM((128,), jnp.float32),
            pltpu.VMEM((SEG_SL,), jnp.float32),
            pltpu.VMEM_SHARED((SEG_PAD,), jnp.float32),
            pltpu.VMEM_SHARED((SEG_PAD,), jnp.float32),
            pltpu.VMEM_SHARED((SEG_PAD,), jnp.float32),
        ],
    )
    def k(ids_hbm, rs_hbm, rs2_hbm, out_hbm,
          idx_v, rs_v, rs2_v, ones_v, z_v, acc_s, acc_s2, acc_c):
        c = lax.axis_index("c")
        s = lax.axis_index("s")
        w = s * NC + c

        zv = jnp.zeros((16,), jnp.float32)
        for i in range(SEG_SL // 16):
            z_v[pl.ds(i * 16, 16)] = zv
        ov = jnp.ones((16,), jnp.float32)
        for i in range(128 // 16):
            ones_v[pl.ds(i * 16, 16)] = ov

        sl = pl.ds(s * SEG_SL, SEG_SL)
        pltpu.sync_copy(z_v, acc_s.at[sl])
        pltpu.sync_copy(z_v, acc_s2.at[sl])
        pltpu.sync_copy(z_v, acc_c.at[sl])

        pltpu.sync_copy(ids_hbm.at[pl.ds(w * GP, GP)], idx_v)
        pltpu.sync_copy(rs_hbm.at[pl.ds(w * (GP * 128), GP * 128)], rs_v)
        pltpu.sync_copy(rs2_hbm.at[pl.ds(w * (GP * 128), GP * 128)], rs2_v)

        plsc.subcore_barrier()

        def body(j, carry):
            idx = idx_v.at[j]
            pltpu.sync_copy(rs_v.at[pl.ds(j * 128, 128)], acc_s.at[idx],
                            add=True)
            pltpu.sync_copy(rs2_v.at[pl.ds(j * 128, 128)], acc_s2.at[idx],
                            add=True)
            pltpu.sync_copy(ones_v, acc_c.at[idx], add=True)
            return carry

        lax.fori_loop(0, GP, body, 0)

        plsc.subcore_barrier()

        base = c * (3 * SEG_PAD)
        off = s * SEG_SL
        pltpu.sync_copy(acc_s.at[sl], out_hbm.at[pl.ds(base + off, SEG_SL)])
        pltpu.sync_copy(acc_s2.at[sl],
                        out_hbm.at[pl.ds(base + SEG_PAD + off, SEG_SL)])
        pltpu.sync_copy(acc_c.at[sl],
                        out_hbm.at[pl.ds(base + 2 * SEG_PAD + off, SEG_SL)])

    return k(ids2d, rs, rs2)


def _sc_gather(partials, ids):
    mesh = plsc.VectorSubcoreMesh(core_axis_name="c", subcore_axis_name="s")

    @functools.partial(
        pl.kernel,
        out_type=[jax.ShapeDtypeStruct((N,), jnp.float32),
                  jax.ShapeDtypeStruct((N,), jnp.float32)],
        mesh=mesh,
        compiler_params=pltpu.CompilerParams(needs_layout_passes=False),
        scratch_types=[
            pltpu.VMEM((NC * 3 * SEG_PAD,), jnp.float32),
            pltpu.VMEM((SEG_PAD,), jnp.float32),
            pltpu.VMEM((SEG_PAD,), jnp.float32),
            pltpu.VMEM((RW,), jnp.int32),
            pltpu.VMEM((RW,), jnp.float32),
            pltpu.VMEM((RW,), jnp.float32),
        ],
    )
    def k(p_hbm, ids_hbm, m_hbm, v_hbm, p_v, mt_v, vt_v, ids_v, m_v, v_v):
        c = lax.axis_index("c")
        s = lax.axis_index("s")
        w = s * NC + c

        pltpu.sync_copy(p_hbm, p_v)
        pltpu.sync_copy(ids_hbm.at[pl.ds(w * RW, RW)], ids_v)

        def tbody(i, carry):
            b = i * 16
            ssum = p_v[pl.ds(b, 16)] + p_v[pl.ds(3 * SEG_PAD + b, 16)]
            ssq = (p_v[pl.ds(SEG_PAD + b, 16)]
                   + p_v[pl.ds(4 * SEG_PAD + b, 16)])
            cnt = (p_v[pl.ds(2 * SEG_PAD + b, 16)]
                   + p_v[pl.ds(5 * SEG_PAD + b, 16)])
            div = jnp.maximum(cnt * float(D), 1.0)
            mean = ssum / div
            var = ssq / div - mean * mean
            mt_v[pl.ds(b, 16)] = mean
            vt_v[pl.ds(b, 16)] = var
            return carry

        lax.fori_loop(0, SEG_PAD // 16, tbody, 0)

        def gbody(i, carry):
            b = i * 16
            idx = ids_v[pl.ds(b, 16)]
            m_v[pl.ds(b, 16)] = plsc.load_gather(mt_v, [idx])
            v_v[pl.ds(b, 16)] = plsc.load_gather(vt_v, [idx])
            return carry

        lax.fori_loop(0, RW // 16, gbody, 0)

        pltpu.sync_copy(m_v, m_hbm.at[pl.ds(w * RW, RW)])
        pltpu.sync_copy(v_v, v_hbm.at[pl.ds(w * RW, RW)])

    return k(partials, ids)


def _norm_body(x_ref, m_ref, v_ref, g_ref, b_ref, o_ref):
    x = x_ref[...]
    r = lax.rsqrt(v_ref[...] + EPS)
    o_ref[...] = (x - m_ref[...]) * r * g_ref[...] + b_ref[...]


def _normalize(x, m, v, gain, bias):
    return pl.pallas_call(
        _norm_body,
        grid=(N // _BR,),
        in_specs=[pl.BlockSpec((_BR, D), lambda i: (i, 0)),
                  pl.BlockSpec((_BR, 1), lambda i: (i, 0)),
                  pl.BlockSpec((_BR, 1), lambda i: (i, 0)),
                  pl.BlockSpec((1, D), lambda i: (0, 0)),
                  pl.BlockSpec((1, D), lambda i: (0, 0))],
        out_specs=pl.BlockSpec((_BR, D), lambda i: (i, 0)),
        out_shape=jax.ShapeDtypeStruct((N, D), jnp.float32),
        compiler_params=pltpu.CompilerParams(
            dimension_semantics=("parallel",)),
    )(x, m, v, gain, bias)


def kernel(inputs, segment_ids, gain, bias):
    x = inputs.astype(jnp.float32)
    ids = segment_ids.astype(jnp.int32)

    rs, rs2 = _row_stats(x)

    zpad = jnp.zeros((N_PAD - N,), jnp.float32)
    ids_p = jnp.concatenate(
        [ids, jnp.full((N_PAD - N,), DUMMY_SEG, jnp.int32)]).reshape(G_PAD, 128)
    rs_p = jnp.concatenate([rs.reshape(N), zpad])
    rs2_p = jnp.concatenate([rs2.reshape(N), zpad])

    partials = _sc_segsum(ids_p, rs_p, rs2_p)
    m_r, v_r = _sc_gather(partials, ids)

    return _normalize(x, m_r.reshape(N, 1), v_r.reshape(N, 1),
                      gain.reshape(1, D), bias.reshape(1, D))

# --- scband reference (transcript-rebuilt; emitter-appended) ---
"""Pipeline reference for scband-segment-layer-normalization-82781199663298 (READ-ONLY COPY).

The authoritative reference and input builder live on the scoring server;
editing this copy changes nothing except your own understanding.
"""

import jax, jax.numpy as jnp
import numpy as np

N = 320000
DIM = 128
NUM_SEGMENTS = 10000
EPS = 1e-05

def setup_inputs(seed: int = 0) -> dict:
    key = jax.random.key(seed)
    k1, k2 = jax.random.split(key)
    inputs = jax.random.normal(k1, (N, DIM), dtype=jnp.float32)
    segment_ids = jnp.sort(jax.random.randint(k2, (N,), 0, NUM_SEGMENTS, dtype=jnp.int64))
    gain = jnp.ones((DIM,), dtype=jnp.float32)
    bias = jnp.zeros((DIM,), dtype=jnp.float32)
    return {"inputs": inputs, "segment_ids": segment_ids, "gain": gain, "bias": bias}

def reference(inputs, segment_ids, gain, bias):
    d = inputs.shape[-1]
    ones = jnp.ones((inputs.shape[0],), dtype=jnp.float32)
    counts = jax.ops.segment_sum(ones, segment_ids, num_segments=NUM_SEGMENTS)
    divisor = jnp.maximum(counts * d, 1.0)
    sum_x = jax.ops.segment_sum(inputs.sum(axis=-1), segment_ids, num_segments=NUM_SEGMENTS)
    sum_x2 = jax.ops.segment_sum((inputs * inputs).sum(axis=-1), segment_ids, num_segments=NUM_SEGMENTS)
    mean = sum_x / divisor
    variance = sum_x2 / divisor - mean * mean
    m = mean[segment_ids]
    v = variance[segment_ids]
    normalized = (inputs - m[:, None]) / jnp.sqrt(v[:, None] + EPS)
    return gain * normalized + bias

if __name__ == "__main__":
    import jax
    _d = setup_inputs()
    print(jax.jit(kernel)(*tuple(_d.values())))

</pallas_src>

<mosaic_0001>
#map = affine_map<(d0, d1) -> (0, 0)>
#map1 = affine_map<(d0, d1) -> (0)>
module attributes {stable_mosaic.version = 14 : i64} {
  func.func @k(%arg0: i32, %arg1: i32, %arg2: memref<2560x128xi32, #tpu.memory_space<hbm>>, %arg3: memref<327680xf32, #tpu.memory_space<hbm>>, %arg4: memref<327680xf32, #tpu.memory_space<hbm>>, %arg5: memref<61440xf32, #tpu.memory_space<hbm>>, %arg6: memref<80x128xi32, #tpu.memory_space<vmem>>, %arg7: memref<10240xf32, #tpu.memory_space<vmem>>, %arg8: memref<10240xf32, #tpu.memory_space<vmem>>, %arg9: memref<128xf32, #tpu.memory_space<vmem>>, %arg10: memref<640xf32, #tpu.memory_space<vmem>>, %arg11: memref<10240xf32, #tpu.memory_space<vmem_shared>>, %arg12: memref<10240xf32, #tpu.memory_space<vmem_shared>>, %arg13: memref<10240xf32, #tpu.memory_space<vmem_shared>>) attributes {dimension_semantics = [#tpu.dimension_semantics<core_parallel>, #tpu.dimension_semantics<subcore_parallel>], iteration_bounds = array<i64: 2, 16>, scalar_prefetch = 0 : i64, scratch_operands = 8 : i64, tpu.core_type = #tpu.core_type<sc_vector_subcore>, window_params = [{transform_indices = #map}, {transform_indices = #map1}, {transform_indices = #map1}, {transform_indices = #map1}]} {
    %mul3A = arith.constant 2 : i32
    %mul3A_0 = arith.muli %arg1, %mul3A : i32
    %add3A = arith.addi %mul3A_0, %arg0 : i32
    %broadcast_in_dim3A = arith.constant 0.000000e+00 : f32
    %broadcast_in_dim3A_1 = vector.broadcast %broadcast_in_dim3A : f32 to vector<16xf32>
    %swap3A = arith.constant 0 : index
    %swap3A_2 = tpu.vector_load %arg10[%swap3A] {strides = array<i32>} : memref<640xf32, #tpu.memory_space<vmem>>, vector<16xf32>,
    %swap3A_3 = vector.shape_cast %swap3A_2 : vector<16xf32> to vector<16xf32>
    %swap3A_4 = vector.shape_cast %broadcast_in_dim3A_1 : vector<16xf32> to vector<16xf32>
    tpu.vector_store %arg10[%swap3A], %swap3A_4 {strides = array<i32>} : memref<640xf32, #tpu.memory_space<vmem>>, vector<16xf32>,
    %swap3A_5 = arith.constant 16 : index
    %swap3A_6 = tpu.vector_load %arg10[%swap3A_5] {strides = array<i32>} : memref<640xf32, #tpu.memory_space<vmem>>, vector<16xf32>,
    %swap3A_7 = vector.shape_cast %swap3A_6 : vector<16xf32> to vector<16xf32>
    %swap3A_8 = vector.shape_cast %broadcast_in_dim3A_1 : vector<16xf32> to vector<16xf32>
    tpu.vector_store %arg10[%swap3A_5], %swap3A_8 {strides = array<i32>} : memref<640xf32, #tpu.memory_space<vmem>>, vector<16xf32>,
    %swap3A_9 = arith.constant 32 : index
    %swap3A_10 = tpu.vector_load %arg10[%swap3A_9] {strides = array<i32>} : memref<640xf32, #tpu.memory_space<vmem>>, vector<16xf32>,
    %swap3A_11 = vector.shape_cast %swap3A_10 : vector<16xf32> to vector<16xf32>
    %swap3A_12 = vector.shape_cast %broadcast_in_dim3A_1 : vector<16xf32> to vector<16xf32>
    tpu.vector_store %arg10[%swap3A_9], %swap3A_12 {strides = array<i32>} : memref<640xf32, #tpu.memory_space<vmem>>, vector<16xf32>,
    %swap3A_13 = arith.constant 48 : index
    %swap3A_14 = tpu.vector_load %arg10[%swap3A_13] {strides = array<i32>} : memref<640xf32, #tpu.memory_space<vmem>>, vector<16xf32>,
    %swap3A_15 = vector.shape_cast %swap3A_14 : vector<16xf32> to vector<16xf32>
    %swap3A_16 = vector.shape_cast %broadcast_in_dim3A_1 : vector<16xf32> to vector<16xf32>
    tpu.vector_store %arg10[%swap3A_13], %swap3A_16 {strides = array<i32>} : memref<640xf32, #tpu.memory_space<vmem>>, vector<16xf32>,
    %swap3A_17 = arith.constant 64 : index
    %swap3A_18 = tpu.vector_load %arg10[%swap3A_17] {strides = array<i32>} : memref<640xf32, #tpu.memory_space<vmem>>, vector<16xf32>,
    %swap3A_19 = vector.shape_cast %swap3A_18 : vector<16xf32> to vector<16xf32>
    %swap3A_20 = vector.shape_cast %broadcast_in_dim3A_1 : vector<16xf32> to vector<16xf32>
    tpu.vector_store %arg10[%swap3A_17], %swap3A_20 {strides = array<i32>} : memref<640xf32, #tpu.memory_space<vmem>>, vector<16xf32>,
    %swap3A_21 = arith.constant 80 : index
    %swap3A_22 = tpu.vector_load %arg10[%swap3A_21] {strides = array<i32>} : memref<640xf32, #tpu.memory_space<vmem>>, vector<16xf32>,
    %swap3A_23 = vector.shape_cast %swap3A_22 : vector<16xf32> to vector<16xf32>
    %swap3A_24 = vector.shape_cast %broadcast_in_dim3A_1 : vector<16xf32> to vector<16xf32>
    tpu.vector_store %arg10[%swap3A_21], %swap3A_24 {strides = array<i32>} : memref<640xf32, #tpu.memory_space<vmem>>, vector<16xf32>,
    %swap3A_25 = arith.constant 96 : index
    %swap3A_26 = tpu.vector_load %arg10[%swap3A_25] {strides = array<i32>} : memref<640xf32, #tpu.memory_space<vmem>>, vector<16xf32>,
    %swap3A_27 = vector.shape_cast %swap3A_26 : vector<16xf32> to vector<16xf32>
    %swap3A_28 = vector.shape_cast %broadcast_in_dim3A_1 : vector<16xf32> to vector<16xf32>
    tpu.vector_store %arg10[%swap3A_25], %swap3A_28 {strides = array<i32>} : memref<640xf32, #tpu.memory_space<vmem>>, vector<16xf32>,
    %swap3A_29 = arith.constant 112 : index
    %swap3A_30 = tpu.vector_load %arg10[%swap3A_29] {strides = array<i32>} : memref<640xf32, #tpu.memory_space<vmem>>, vector<16xf32>,
    %swap3A_31 = vector.shape_cast %swap3A_30 : vector<16xf32> to vector<16xf32>
    %swap3A_32 = vector.shape_cast %broadcast_in_dim3A_1 : vector<16xf32> to vector<16xf32>
    tpu.vector_store %arg10[%swap3A_29], %swap3A_32 {strides = array<i32>} : memref<640xf32, #tpu.memory_space<vmem>>, vector<16xf32>,
    %swap3A_33 = arith.constant 128 : index
    %swap3A_34 = tpu.vector_load %arg10[%swap3A_33] {strides = array<i32>} : memref<640xf32, #tpu.memory_space<vmem>>, vector<16xf32>,
    %swap3A_35 = vector.shape_cast %swap3A_34 : vector<16xf32> to vector<16xf32>
    %swap3A_36 = vector.shape_cast %broadcast_in_dim3A_1 : vector<16xf32> to vector<16xf32>
    tpu.vector_store %arg10[%swap3A_33], %swap3A_36 {strides = array<i32>} : memref<640xf32, #tpu.memory_space<vmem>>, vector<16xf32>,
    %swap3A_37 = arith.constant 144 : index
    %swap3A_38 = tpu.vector_load %arg10[%swap3A_37] {strides = array<i32>} : memref<640xf32, #tpu.memory_space<vmem>>, vector<16xf32>,
    %swap3A_39 = vector.shape_cast %swap3A_38 : vector<16xf32> to vector<16xf32>
    %swap3A_40 = vector.shape_cast %broadcast_in_dim3A_1 : vector<16xf32> to vector<16xf32>
    tpu.vector_store %arg10[%swap3A_37], %swap3A_40 {strides = array<i32>} : memref<640xf32, #tpu.memory_space<vmem>>, vector<16xf32>,
    %swap3A_41 = arith.constant 160 : index
    %swap3A_42 = tpu.vector_load %arg10[%swap3A_41] {strides = array<i32>} : memref<640xf32, #tpu.memory_space<vmem>>, vector<16xf32>,
    %swap3A_43 = vector.shape_cast %swap3A_42 : vector<16xf32> to vector<16xf32>
    %swap3A_44 = vector.shape_cast %broadcast_in_dim3A_1 : vector<16xf32> to vector<16xf32>
    tpu.vector_store %arg10[%swap3A_41], %swap3A_44 {strides = array<i32>} : memref<640xf32, #tpu.memory_space<vmem>>, vector<16xf32>,
    %swap3A_45 = arith.constant 176 : index
    %swap3A_46 = tpu.vector_load %arg10[%swap3A_45] {strides = array<i32>} : memref<640xf32, #tpu.memory_space<vmem>>, vector<16xf32>,
    %swap3A_47 = vector.shape_cast %swap3A_46 : vector<16xf32> to vector<16xf32>
    %swap3A_48 = vector.shape_cast %broadcast_in_dim3A_1 : vector<16xf32> to vector<16xf32>
    tpu.vector_store %arg10[%swap3A_45], %swap3A_48 {strides = array<i32>} : memref<640xf32, #tpu.memory_space<vmem>>, vector<16xf32>,
    %swap3A_49 = arith.constant 192 : index
    %swap3A_50 = tpu.vector_load %arg10[%swap3A_49] {strides = array<i32>} : memref<640xf32, #tpu.memory_space<vmem>>, vector<16xf32>,
    %swap3A_51 = vector.shape_cast %swap3A_50 : vector<16xf32> to vector<16xf32>
    %swap3A_52 = vector.shape_cast %broadcast_in_dim3A_1 : vector<16xf32> to vector<16xf32>
    tpu.vector_store %arg10[%swap3A_49], %swap3A_52 {strides = array<i32>} : memref<640xf32, #tpu.memory_space<vmem>>, vector<16xf32>,
    %swap3A_53 = arith.constant 208 : index
    %swap3A_54 = tpu.vector_load %arg10[%swap3A_53] {strides = array<i32>} : memref<640xf32, #tpu.memory_space<vmem>>, vector<16xf32>,
    %swap3A_55 = vector.shape_cast %swap3A_54 : vector<16xf32> to vector<16xf32>
    %swap3A_56 = vector.shape_cast %broadcast_in_dim3A_1 : vector<16xf32> to vector<16xf32>
    tpu.vector_store %arg10[%swap3A_53], %swap3A_56 {strides = array<i32>} : memref<640xf32, #tpu.memory_space<vmem>>, vector<16xf32>,
    %swap3A_57 = arith.constant 224 : index
    %swap3A_58 = tpu.vector_load %arg10[%swap3A_57] {strides = array<i32>} : memref<640xf32, #tpu.memory_space<vmem>>, vector<16xf32>,
    %swap3A_59 = vector.shape_cast %swap3A_58 : vector<16xf32> to vector<16xf32>
    %swap3A_60 = vector.shape_cast %broadcast_in_dim3A_1 : vector<16xf32> to vector<16xf32>
    tpu.vector_store %arg10[%swap3A_57], %swap3A_60 {strides = array<i32>} : memref<640xf32, #tpu.memory_space<vmem>>, vector<16xf32>,
    %swap3A_61 = arith.constant 240 : index
    %swap3A_62 = tpu.vector_load %arg10[%swap3A_61] {strides = array<i32>} : memref<640xf32, #tpu.memory_space<vmem>>, vector<16xf32>,
    %swap3A_63 = vector.shape_cast %swap3A_62 : vector<16xf32> to vector<16xf32>
    %swap3A_64 = vector.shape_cast %broadcast_in_dim3A_1 : vector<16xf32> to vector<16xf32>
    tpu.vector_store %arg10[%swap3A_61], %swap3A_64 {strides = array<i32>} : memref<640xf32, #tpu.memory_space<vmem>>, vector<16xf32>,
    %swap3A_65 = arith.constant 256 : index
    %swap3A_66 = tpu.vector_load %arg10[%swap3A_65] {strides = array<i32>} : memref<640xf32, #tpu.memory_space<vmem>>, vector<16xf32>,
    %swap3A_67 = vector.shape_cast %swap3A_66 : vector<16xf32> to vector<16xf32>
    %swap3A_68 = vector.shape_cast %broadcast_in_dim3A_1 : vector<16xf32> to vector<16xf32>
    tpu.vector_store %arg10[%swap3A_65], %swap3A_68 {strides = array<i32>} : memref<640xf32, #tpu.memory_space<vmem>>, vector<16xf32>,
    %swap3A_69 = arith.constant 272 : index
    %swap3A_70 = tpu.vector_load %arg10[%swap3A_69] {strides = array<i32>} : memref<640xf32, #tpu.memory_space<vmem>>, vector<16xf32>,
    %swap3A_71 = vector.shape_cast %swap3A_70 : vector<16xf32> to vector<16xf32>
    %swap3A_72 = vector.shape_cast %broadcast_in_dim3A_1 : vector<16xf32> to vector<16xf32>
    tpu.vector_store %arg10[%swap3A_69], %swap3A_72 {strides = array<i32>} : memref<640xf32, #tpu.memory_space<vmem>>, vector<16xf32>,
    %swap3A_73 = arith.constant 288 : index
    %swap3A_74 = tpu.vector_load %arg10[%swap3A_73] {strides = array<i32>} : memref<640xf32, #tpu.memory_space<vmem>>, vector<16xf32>,
    %swap3A_75 = vector.shape_cast %swap3A_74 : vector<16xf32> to vector<16xf32>
    %swap3A_76 = vector.shape_cast %broadcast_in_dim3A_1 : vector<16xf32> to vector<16xf32>
    tpu.vector_store %arg10[%swap3A_73], %swap3A_76 {strides = array<i32>} : memref<640xf32, #tpu.memory_space<vmem>>, vector<16xf32>,
    %swap3A_77 = arith.constant 304 : index
    %swap3A_78 = tpu.vector_load %arg10[%swap3A_77] {strides = array<i32>} : memref<640xf32, #tpu.memory_space<vmem>>, vector<16xf32>,
    %swap3A_79 = vector.shape_cast %swap3A_78 : vector<16xf32> to vector<16xf32>
    %swap3A_80 = vector.shape_cast %broadcast_in_dim3A_1 : vector<16xf32> to vector<16xf32>
    tpu.vector_store %arg10[%swap3A_77], %swap3A_80 {strides = array<i32>} : memref<640xf32, #tpu.memory_space<vmem>>, vector<16xf32>,
    %swap3A_81 = arith.constant 320 : index
    %swap3A_82 = tpu.vector_load %arg10[%swap3A_81] {strides = array<i32>} : memref<640xf32, #tpu.memory_space<vmem>>, vector<16xf32>,
    %swap3A_83 = vector.shape_cast %swap3A_82 : vector<16xf32> to vector<16xf32>
    %swap3A_84 = vector.shape_cast %broadcast_in_dim3A_1 : vector<16xf32> to vector<16xf32>
    tpu.vector_store %arg10[%swap3A_81], %swap3A_84 {strides = array<i32>} : memref<640xf32, #tpu.memory_space<vmem>>, vector<16xf32>,
    %swap3A_85 = arith.constant 336 : index
    %swap3A_86 = tpu.vector_load %arg10[%swap3A_85] {strides = array<i32>} : memref<640xf32, #tpu.memory_space<vmem>>, vector<16xf32>,
    %swap3A_87 = vector.shape_cast %swap3A_86 : vector<16xf32> to vector<16xf32>
    %swap3A_88 = vector.shape_cast %broadcast_in_dim3A_1 : vector<16xf32> to vector<16xf32>
    tpu.vector_store %arg10[%swap3A_85], %swap3A_88 {strides = array<i32>} : memref<640xf32, #tpu.memory_space<vmem>>, vector<16xf32>,
    %swap3A_89 = arith.constant 352 : index
    %swap3A_90 = tpu.vector_load %arg10[%swap3A_89] {strides = array<i32>} : memref<640xf32, #tpu.memory_space<vmem>>, vector<16xf32>,
    %swap3A_91 = vector.shape_cast %swap3A_90 : vector<16xf32> to vector<16xf32>
    %swap3A_92 = vector.shape_cast %broadcast_in_dim3A_1 : vector<16xf32> to vector<16xf32>
    tpu.vector_store %arg10[%swap3A_89], %swap3A_92 {strides = array<i32>} : memref<640xf32, #tpu.memory_space<vmem>>, vector<16xf32>,
    %swap3A_93 = arith.constant 368 : index
    %swap3A_94 = tpu.vector_load %arg10[%swap3A_93] {strides = array<i32>} : memref<640xf32, #tpu.memory_space<vmem>>, vector<16xf32>,
    %swap3A_95 = vector.shape_cast %swap3A_94 : vector<16xf32> to vector<16xf32>
    %swap3A_96 = vector.shape_cast %broadcast_in_dim3A_1 : vector<16xf32> to vector<16xf32>
    tpu.vector_store %arg10[%swap3A_93], %swap3A_96 {strides = array<i32>} : memref<640xf32, #tpu.memory_space<vmem>>, vector<16xf32>,
    %swap3A_97 = arith.constant 384 : index
    %swap3A_98 = tpu.vector_load %arg10[%swap3A_97] {strides = array<i32>} : memref<640xf32, #tpu.memory_space<vmem>>, vector<16xf32>,
    %swap3A_99 = vector.shape_cast %swap3A_98 : vector<16xf32> to vector<16xf32>
    %swap3A_100 = vector.shape_cast %broadcast_in_dim3A_1 : vector<16xf32> to vector<16xf32>
    tpu.vector_store %arg10[%swap3A_97], %swap3A_100 {strides = array<i32>} : memref<640xf32, #tpu.memory_space<vmem>>, vector<16xf32>,
    %swap3A_101 = arith.constant 400 : index
    %swap3A_102 = tpu.vector_load %arg10[%swap3A_101] {strides = array<i32>} : memref<640xf32, #tpu.memory_space<vmem>>, vector<16xf32>,
    %swap3A_103 = vector.shape_cast %swap3A_102 : vector<16xf32> to vector<16xf32>
    %swap3A_104 = vector.shape_cast %broadcast_in_dim3A_1 : vector<16xf32> to vector<16xf32>
    tpu.vector_store %arg10[%swap3A_101], %swap3A_104 {strides = array<i32>} : memref<640xf32, #tpu.memory_space<vmem>>, vector<16xf32>,
    %swap3A_105 = arith.constant 416 : index
    %swap3A_106 = tpu.vector_load %arg10[%swap3A_105] {strides = array<i32>} : memref<640xf32, #tpu.memory_space<vmem>>, vector<16xf32>,
    %swap3A_107 = vector.shape_cast %swap3A_106 : vector<16xf32> to vector<16xf32>
    %swap3A_108 = vector.shape_cast %broadcast_in_dim3A_1 : vector<16xf32> to vector<16xf32>
    tpu.vector_store %arg10[%swap3A_105], %swap3A_108 {strides = array<i32>} : memref<640xf32, #tpu.memory_space<vmem>>, vector<16xf32>,
    %swap3A_109 = arith.constant 432 : index
    %swap3A_110 = tpu.vector_load %arg10[%swap3A_109] {strides = array<i32>} : memref<640xf32, #tpu.memory_space<vmem>>, vector<16xf32>,
    %swap3A_111 = vector.shape_cast %swap3A_110 : vector<16xf32> to vector<16xf32>
    %swap3A_112 = vector.shape_cast %broadcast_in_dim3A_1 : vector<16xf32> to vector<16xf32>
    tpu.vector_store %arg10[%swap3A_109], %swap3A_112 {strides = array<i32>} : memref<640xf32, #tpu.memory_space<vmem>>, vector<16xf32>,
    %swap3A_113 = arith.constant 448 : index
    %swap3A_114 = tpu.vector_load %arg10[%swap3A_113] {strides = array<i32>} : memref<640xf32, #tpu.memory_space<vmem>>, vector<16xf32>,
    %swap3A_115 = vector.shape_cast %swap3A_114 : vector<16xf32> to vector<16xf32>
    %swap3A_116 = vector.shape_cast %broadcast_in_dim3A_1 : vector<16xf32> to vector<16xf32>
    tpu.vector_store %arg10[%swap3A_113], %swap3A_116 {strides = array<i32>} : memref<640xf32, #tpu.memory_space<vmem>>, vector<16xf32>,
    %swap3A_117 = arith.constant 464 : index
    %swap3A_118 = tpu.vector_load %arg10[%swap3A_117] {strides = array<i32>} : memref<640xf32, #tpu.memory_space<vmem>>, vector<16xf32>,
    %swap3A_119 = vector.shape_cast %swap3A_118 : vector<16xf32> to vector<16xf32>
    %swap3A_120 = vector.shape_cast %broadcast_in_dim3A_1 : vector<16xf32> to vector<16xf32>
    tpu.vector_store %arg10[%swap3A_117], %swap3A_120 {strides = array<i32>} : memref<640xf32, #tpu.memory_space<vmem>>, vector<16xf32>,
    %swap3A_121 = arith.constant 480 : index
    %swap3A_122 = tpu.vector_load %arg10[%swap3A_121] {strides = array<i32>} : memref<640xf32, #tpu.memory_space<vmem>>, vector<16xf32>,
    %swap3A_123 = vector.shape_cast %swap3A_122 : vector<16xf32> to vector<16xf32>
    %swap3A_124 = vector.shape_cast %broadcast_in_dim3A_1 : vector<16xf32> to vector<16xf32>
    tpu.vector_store %arg10[%swap3A_121], %swap3A_124 {strides = array<i32>} : memref<640xf32, #tpu.memory_space<vmem>>, vector<16xf32>,
    %swap3A_125 = arith.constant 496 : index
    %swap3A_126 = tpu.vector_load %arg10[%swap3A_125] {strides = array<i32>} : memref<640xf32, #tpu.memory_space<vmem>>, vector<16xf32>,
    %swap3A_127 = vector.shape_cast %swap3A_126 : vector<16xf32> to vector<16xf32>
    %swap3A_128 = vector.shape_cast %broadcast_in_dim3A_1 : vector<16xf32> to vector<16xf32>
    tpu.vector_store %arg10[%swap3A_125], %swap3A_128 {strides = array<i32>} : memref<640xf32, #tpu.memory_space<vmem>>, vector<16xf32>,
    %swap3A_129 = arith.constant 512 : index
    %swap3A_130 = tpu.vector_load %arg10[%swap3A_129] {strides = array<i32>} : memref<640xf32, #tpu.memory_space<vmem>>, vector<16xf32>,
    %swap3A_131 = vector.shape_cast %swap3A_130 : vector<16xf32> to vector<16xf32>
    %swap3A_132 = vector.shape_cast %broadcast_in_dim3A_1 : vector<16xf32> to vector<16xf32>
    tpu.vector_store %arg10[%swap3A_129], %swap3A_132 {strides = array<i32>} : memref<640xf32, #tpu.memory_space<vmem>>, vector<16xf32>,
    %swap3A_133 = arith.constant 528 : index
    %swap3A_134 = tpu.vector_load %arg10[%swap3A_133] {strides = array<i32>} : memref<640xf32, #tpu.memory_space<vmem>>, vector<16xf32>,
    %swap3A_135 = vector.shape_cast %swap3A_134 : vector<16xf32> to vector<16xf32>
    %swap3A_136 = vector.shape_cast %broadcast_in_dim3A_1 : vector<16xf32> to vector<16xf32>
    tpu.vector_store %arg10[%swap3A_133], %swap3A_136 {strides = array<i32>} : memref<640xf32, #tpu.memory_space<vmem>>, vector<16xf32>,
    %swap3A_137 = arith.constant 544 : index
    %swap3A_138 = tpu.vector_load %arg10[%swap3A_137] {strides = array<i32>} : memref<640xf32, #tpu.memory_space<vmem>>, vector<16xf32>,
    %swap3A_139 = vector.shape_cast %swap3A_138 : vector<16xf32> to vector<16xf32>
    %swap3A_140 = vector.shape_cast %broadcast_in_dim3A_1 : vector<16xf32> to vector<16xf32>
    tpu.vector_store %arg10[%swap3A_137], %swap3A_140 {strides = array<i32>} : memref<640xf32, #tpu.memory_space<vmem>>, vector<16xf32>,
    %swap3A_141 = arith.constant 560 : index
    %swap3A_142 = tpu.vector_load %arg10[%swap3A_141] {strides = array<i32>} : memref<640xf32, #tpu.memory_space<vmem>>, vector<16xf32>,
    %swap3A_143 = vector.shape_cast %swap3A_142 : vector<16xf32> to vector<16xf32>
    %swap3A_144 = vector.shape_cast %broadcast_in_dim3A_1 : vector<16xf32> to vector<16xf32>
    tpu.vector_store %arg10[%swap3A_141], %swap3A_144 {strides = array<i32>} : memref<640xf32, #tpu.memory_space<vmem>>, vector<16xf32>,
    %swap3A_145 = arith.constant 576 : index
    %swap3A_146 = tpu.vector_load %arg10[%swap3A_145] {strides = array<i32>} : memref<640xf32, #tpu.memory_space<vmem>>, vector<16xf32>,
    %swap3A_147 = vector.shape_cast %swap3A_146 : vector<16xf32> to vector<16xf32>
    %swap3A_148 = vector.shape_cast %broadcast_in_dim3A_1 : vector<16xf32> to vector<16xf32>
    tpu.vector_store %arg10[%swap3A_145], %swap3A_148 {strides = array<i32>} : memref<640xf32, #tpu.memory_space<vmem>>, vector<16xf32>,
    %swap3A_149 = arith.constant 592 : index
    %swap3A_150 = tpu.vector_load %arg10[%swap3A_149] {strides = array<i32>} : memref<640xf32, #tpu.memory_space<vmem>>, vector<16xf32>,
    %swap3A_151 = vector.shape_cast %swap3A_150 : vector<16xf32> to vector<16xf32>
    %swap3A_152 = vector.shape_cast %broadcast_in_dim3A_1 : vector<16xf32> to vector<16xf32>
    tpu.vector_store %arg10[%swap3A_149], %swap3A_152 {strides = array<i32>} : memref<640xf32, #tpu.memory_space<vmem>>, vector<16xf32>,
    %swap3A_153 = arith.constant 608 : index
    %swap3A_154 = tpu.vector_load %arg10[%swap3A_153] {strides = array<i32>} : memref<640xf32, #tpu.memory_space<vmem>>, vector<16xf32>,
    %swap3A_155 = vector.shape_cast %swap3A_154 : vector<16xf32> to vector<16xf32>
    %swap3A_156 = vector.shape_cast %broadcast_in_dim3A_1 : vector<16xf32> to vector<16xf32>
    tpu.vector_store %arg10[%swap3A_153], %swap3A_156 {strides = array<i32>} : memref<640xf32, #tpu.memory_space<vmem>>, vector<16xf32>,
    %swap3A_157 = arith.constant 624 : index
    %swap3A_158 = tpu.vector_load %arg10[%swap3A_157] {strides = array<i32>} : memref<640xf32, #tpu.memory_space<vmem>>, vector<16xf32>,
    %swap3A_159 = vector.shape_cast %swap3A_158 : vector<16xf32> to vector<16xf32>
    %swap3A_160 = vector.shape_cast %broadcast_in_dim3A_1 : vector<16xf32> to vector<16xf32>
    tpu.vector_store %arg10[%swap3A_157], %swap3A_160 {strides = array<i32>} : memref<640xf32, #tpu.memory_space<vmem>>, vector<16xf32>,
    %broadcast_in_dim3A_161 = arith.constant 1.000000e+00 : f32
    %broadcast_in_dim3A_162 = vector.broadcast %broadcast_in_dim3A_161 : f32 to vector<16xf32>
    %swap3A_163 = arith.constant 0 : index
    %swap3A_164 = tpu.vector_load %arg9[%swap3A_163] {strides = array<i32>} : memref<128xf32, #tpu.memory_space<vmem>>, vector<16xf32>,
    %swap3A_165 = vector.shape_cast %swap3A_164 : vector<16xf32> to vector<16xf32>
    %swap3A_166 = vector.shape_cast %broadcast_in_dim3A_162 : vector<16xf32> to vector<16xf32>
    tpu.vector_store %arg9[%swap3A_163], %swap3A_166 {strides = array<i32>} : memref<128xf32, #tpu.memory_space<vmem>>, vector<16xf32>,
    %swap3A_167 = arith.constant 16 : index
    %swap3A_168 = tpu.vector_load %arg9[%swap3A_167] {strides = array<i32>} : memref<128xf32, #tpu.memory_space<vmem>>, vector<16xf32>,
    %swap3A_169 = vector.shape_cast %swap3A_168 : vector<16xf32> to vector<16xf32>
    %swap3A_170 = vector.shape_cast %broadcast_in_dim3A_162 : vector<16xf32> to vector<16xf32>
    tpu.vector_store %arg9[%swap3A_167], %swap3A_170 {strides = array<i32>} : memref<128xf32, #tpu.memory_space<vmem>>, vector<16xf32>,
    %swap3A_171 = arith.constant 32 : index
    %swap3A_172 = tpu.vector_load %arg9[%swap3A_171] {strides = array<i32>} : memref<128xf32, #tpu.memory_space<vmem>>, vector<16xf32>,
    %swap3A_173 = vector.shape_cast %swap3A_172 : vector<16xf32> to vector<16xf32>
    %swap3A_174 = vector.shape_cast %broadcast_in_dim3A_162 : vector<16xf32> to vector<16xf32>
    tpu.vector_store %arg9[%swap3A_171], %swap3A_174 {strides = array<i32>} : memref<128xf32, #tpu.memory_space<vmem>>, vector<16xf32>,
    %swap3A_175 = arith.constant 48 : index
    %swap3A_176 = tpu.vector_load %arg9[%swap3A_175] {strides = array<i32>} : memref<128xf32, #tpu.memory_space<vmem>>, vector<16xf32>,
    %swap3A_177 = vector.shape_cast %swap3A_176 : vector<16xf32> to vector<16xf32>
    %swap3A_178 = vector.shape_cast %broadcast_in_dim3A_162 : vector<16xf32> to vector<16xf32>
    tpu.vector_store %arg9[%swap3A_175], %swap3A_178 {strides = array<i32>} : memref<128xf32, #tpu.memory_space<vmem>>, vector<16xf32>,
    %swap3A_179 = arith.constant 64 : index
    %swap3A_180 = tpu.vector_load %arg9[%swap3A_179] {strides = array<i32>} : memref<128xf32, #tpu.memory_space<vmem>>, vector<16xf32>,
    %swap3A_181 = vector.shape_cast %swap3A_180 : vector<16xf32> to vector<16xf32>
    %swap3A_182 = vector.shape_cast %broadcast_in_dim3A_162 : vector<16xf32> to vector<16xf32>
    tpu.vector_store %arg9[%swap3A_179], %swap3A_182 {strides = array<i32>} : memref<128xf32, #tpu.memory_space<vmem>>, vector<16xf32>,
    %swap3A_183 = arith.constant 80 : index
    %swap3A_184 = tpu.vector_load %arg9[%swap3A_183] {strides = array<i32>} : memref<128xf32, #tpu.memory_space<vmem>>, vector<16xf32>,
    %swap3A_185 = vector.shape_cast %swap3A_184 : vector<16xf32> to vector<16xf32>
    %swap3A_186 = vector.shape_cast %broadcast_in_dim3A_162 : vector<16xf32> to vector<16xf32>
    tpu.vector_store %arg9[%swap3A_183], %swap3A_186 {strides = array<i32>} : memref<128xf32, #tpu.memory_space<vmem>>, vector<16xf32>,
    %swap3A_187 = arith.constant 96 : index
    %swap3A_188 = tpu.vector_load %arg9[%swap3A_187] {strides = array<i32>} : memref<128xf32, #tpu.memory_space<vmem>>, vector<16xf32>,
    %swap3A_189 = vector.shape_cast %swap3A_188 : vector<16xf32> to vector<16xf32>
    %swap3A_190 = vector.shape_cast %broadcast_in_dim3A_162 : vector<16xf32> to vector<16xf32>
    tpu.vector_store %arg9[%swap3A_187], %swap3A_190 {strides = array<i32>} : memref<128xf32, #tpu.memory_space<vmem>>, vector<16xf32>,
    %swap3A_191 = arith.constant 112 : index
    %swap3A_192 = tpu.vector_load %arg9[%swap3A_191] {strides = array<i32>} : memref<128xf32, #tpu.memory_space<vmem>>, vector<16xf32>,
    %swap3A_193 = vector.shape_cast %swap3A_192 : vector<16xf32> to vector<16xf32>
    %swap3A_194 = vector.shape_cast %broadcast_in_dim3A_162 : vector<16xf32> to vector<16xf32>
    tpu.vector_store %arg9[%swap3A_191], %swap3A_194 {strides = array<i32>} : memref<128xf32, #tpu.memory_space<vmem>>, vector<16xf32>,
    %mul3A_195 = arith.constant 640 : i32
    %mul3A_196 = arith.muli %arg1, %mul3A_195 : i32
    "tpu.region"() ({
      %run_scoped3A = tpu.sem_alloc : memref<!tpu.dma_semaphore, #tpu.memory_space<semaphore_mem>>
      %dma_start3A = tpu.memref_slice %arg11[%mul3A_196] : memref<10240xf32, #tpu.memory_space<vmem_shared>> -> memref<640xf32, #tpu.memory_space<vmem_shared>>
      %dma_start3A_220 = tpu.memref_slice %arg11[%mul3A_196] : memref<10240xf32, #tpu.memory_space<vmem_shared>> -> memref<640xf32, #tpu.memory_space<vmem_shared>>
      tpu.enqueue_dma source(%arg10 : memref<640xf32, #tpu.memory_space<vmem>>) target(%dma_start3A_220 : memref<640xf32, #tpu.memory_space<vmem_shared>>) target_semaphore(%run_scoped3A : memref<!tpu.dma_semaphore, #tpu.memory_space<semaphore_mem>>)
      %dma_wait3A = tpu.memref_slice %arg11[%mul3A_196] : memref<10240xf32, #tpu.memory_space<vmem_shared>> -> memref<640xf32, #tpu.memory_space<vmem_shared>>
      %dma_wait3A_221 = tpu.memref_slice %arg11[%mul3A_196] : memref<10240xf32, #tpu.memory_space<vmem_shared>> -> memref<640xf32, #tpu.memory_space<vmem_shared>>
      tpu.wait_dma2 semaphore(%run_scoped3A : memref<!tpu.dma_semaphore, #tpu.memory_space<semaphore_mem>>) src(%arg10 : memref<640xf32, #tpu.memory_space<vmem>>) dst(%dma_wait3A_221 : memref<640xf32, #tpu.memory_space<vmem_shared>>)
      tpu.yield
    }) : () -> ()
    "tpu.region"() ({
      %run_scoped3A = tpu.sem_alloc : memref<!tpu.dma_semaphore, #tpu.memory_space<semaphore_mem>>
      %dma_start3A = tpu.memref_slice %arg12[%mul3A_196] : memref<10240xf32, #tpu.memory_space<vmem_shared>> -> memref<640xf32, #tpu.memory_space<vmem_shared>>
      %dma_start3A_220 = tpu.memref_slice %arg12[%mul3A_196] : memref<10240xf32, #tpu.memory_space<vmem_shared>> -> memref<640xf32, #tpu.memory_space<vmem_shared>>
      tpu.enqueue_dma source(%arg10 : memref<640xf32, #tpu.memory_space<vmem>>) target(%dma_start3A_220 : memref<640xf32, #tpu.memory_space<vmem_shared>>) target_semaphore(%run_scoped3A : memref<!tpu.dma_semaphore, #tpu.memory_space<semaphore_mem>>)
      %dma_wait3A = tpu.memref_slice %arg12[%mul3A_196] : memref<10240xf32, #tpu.memory_space<vmem_shared>> -> memref<640xf32, #tpu.memory_space<vmem_shared>>
      %dma_wait3A_221 = tpu.memref_slice %arg12[%mul3A_196] : memref<10240xf32, #tpu.memory_space<vmem_shared>> -> memref<640xf32, #tpu.memory_space<vmem_shared>>
      tpu.wait_dma2 semaphore(%run_scoped3A : memref<!tpu.dma_semaphore, #tpu.memory_space<semaphore_mem>>) src(%arg10 : memref<640xf32, #tpu.memory_space<vmem>>) dst(%dma_wait3A_221 : memref<640xf32, #tpu.memory_space<vmem_shared>>)
      tpu.yield
    }) : () -> ()
    "tpu.region"() ({
      %run_scoped3A = tpu.sem_alloc : memref<!tpu.dma_semaphore, #tpu.memory_space<semaphore_mem>>
      %dma_start3A = tpu.memref_slice %arg13[%mul3A_196] : memref<10240xf32, #tpu.memory_space<vmem_shared>> -> memref<640xf32, #tpu.memory_space<vmem_shared>>
      %dma_start3A_220 = tpu.memref_slice %arg13[%mul3A_196] : memref<10240xf32, #tpu.memory_space<vmem_shared>> -> memref<640xf32, #tpu.memory_space<vmem_shared>>
      tpu.enqueue_dma source(%arg10 : memref<640xf32, #tpu.memory_space<vmem>>) target(%dma_start3A_220 : memref<640xf32, #tpu.memory_space<vmem_shared>>) target_semaphore(%run_scoped3A : memref<!tpu.dma_semaphore, #tpu.memory_space<semaphore_mem>>)
      %dma_wait3A = tpu.memref_slice %arg13[%mul3A_196] : memref<10240xf32, #tpu.memory_space<vmem_shared>> -> memref<640xf32, #tpu.memory_space<vmem_shared>>
      %dma_wait3A_221 = tpu.memref_slice %arg13[%mul3A_196] : memref<10240xf32, #tpu.memory_space<vmem_shared>> -> memref<640xf32, #tpu.memory_space<vmem_shared>>
      tpu.wait_dma2 semaphore(%run_scoped3A : memref<!tpu.dma_semaphore, #tpu.memory_space<semaphore_mem>>) src(%arg10 : memref<640xf32, #tpu.memory_space<vmem>>) dst(%dma_wait3A_221 : memref<640xf32, #tpu.memory_space<vmem_shared>>)
      tpu.yield
    }) : () -> ()
    %mul3A_197 = arith.constant 80 : i32
    %mul3A_198 = arith.muli %add3A, %mul3A_197 : i32
    "tpu.region"() ({
      %run_scoped3A = tpu.sem_alloc : memref<!tpu.dma_semaphore, #tpu.memory_space<semaphore_mem>>
      %dma_start3A = arith.constant 0 : i32
      %dma_start3A_220 = tpu.memref_slice %arg2[%mul3A_198, %dma_start3A] : memref<2560x128xi32, #tpu.memory_space<hbm>> -> memref<80x128xi32, #tpu.memory_space<hbm>>
      %dma_start3A_221 = arith.constant 0 : i32
      %dma_start3A_222 = tpu.memref_slice %arg2[%mul3A_198, %dma_start3A_221] : memref<2560x128xi32, #tpu.memory_space<hbm>> -> memref<80x128xi32, #tpu.memory_space<hbm>>
      tpu.enqueue_dma source(%dma_start3A_222 : memref<80x128xi32, #tpu.memory_space<hbm>>) target(%arg6 : memref<80x128xi32, #tpu.memory_space<vmem>>) target_semaphore(%run_scoped3A : memref<!tpu.dma_semaphore, #tpu.memory_space<semaphore_mem>>)
      %dma_wait3A = arith.constant 0 : i32
      %dma_wait3A_223 = tpu.memref_slice %arg2[%mul3A_198, %dma_wait3A] : memref<2560x128xi32, #tpu.memory_space<hbm>> -> memref<80x128xi32, #tpu.memory_space<hbm>>
      %dma_wait3A_224 = arith.constant 0 : i32
      %dma_wait3A_225 = tpu.memref_slice %arg2[%mul3A_198, %dma_wait3A_224] : memref<2560x128xi32, #tpu.memory_space<hbm>> -> memref<80x128xi32, #tpu.memory_space<hbm>>
      tpu.wait_dma2 semaphore(%run_scoped3A : memref<!tpu.dma_semaphore, #tpu.memory_space<semaphore_mem>>) src(%dma_wait3A_225 : memref<80x128xi32, #tpu.memory_space<hbm>>) dst(%arg6 : memref<80x128xi32, #tpu.memory_space<vmem>>)
      tpu.yield
    }) : () -> ()
    %mul3A_199 = arith.constant 10240 : i32
    %mul3A_200 = arith.muli %add3A, %mul3A_199 : i32
    "tpu.region"() ({
      %run_scoped3A = tpu.sem_alloc : memref<!tpu.dma_semaphore, #tpu.memory_space<semaphore_mem>>
      %dma_start3A = tpu.memref_slice %arg3[%mul3A_200] : memref<327680xf32, #tpu.memory_space<hbm>> -> memref<10240xf32, #tpu.memory_space<hbm>>
      %dma_start3A_220 = tpu.memref_slice %arg3[%mul3A_200] : memref<327680xf32, #tpu.memory_space<hbm>> -> memref<10240xf32, #tpu.memory_space<hbm>>
      tpu.enqueue_dma source(%dma_start3A_220 : memref<10240xf32, #tpu.memory_space<hbm>>) target(%arg7 : memref<10240xf32, #tpu.memory_space<vmem>>) target_semaphore(%run_scoped3A : memref<!tpu.dma_semaphore, #tpu.memory_space<semaphore_mem>>)
      %dma_wait3A = tpu.memref_slice %arg3[%mul3A_200] : memref<327680xf32, #tpu.memory_space<hbm>> -> memref<10240xf32, #tpu.memory_space<hbm>>
      %dma_wait3A_221 = tpu.memref_slice %arg3[%mul3A_200] : memref<327680xf32, #tpu.memory_space<hbm>> -> memref<10240xf32, #tpu.memory_space<hbm>>
      tpu.wait_dma2 semaphore(%run_scoped3A : memref<!tpu.dma_semaphore, #tpu.memory_space<semaphore_mem>>) src(%dma_wait3A_221 : memref<10240xf32, #tpu.memory_space<hbm>>) dst(%arg7 : memref<10240xf32, #tpu.memory_space<vmem>>)
      tpu.yield
    }) : () -> ()
    %mul3A_201 = arith.constant 10240 : i32
    %mul3A_202 = arith.muli %add3A, %mul3A_201 : i32
    "tpu.region"() ({
      %run_scoped3A = tpu.sem_alloc : memref<!tpu.dma_semaphore, #tpu.memory_space<semaphore_mem>>
      %dma_start3A = tpu.memref_slice %arg4[%mul3A_202] : memref<327680xf32, #tpu.memory_space<hbm>> -> memref<10240xf32, #tpu.memory_space<hbm>>
      %dma_start3A_220 = tpu.memref_slice %arg4[%mul3A_202] : memref<327680xf32, #tpu.memory_space<hbm>> -> memref<10240xf32, #tpu.memory_space<hbm>>
      tpu.enqueue_dma source(%dma_start3A_220 : memref<10240xf32, #tpu.memory_space<hbm>>) target(%arg8 : memref<10240xf32, #tpu.memory_space<vmem>>) target_semaphore(%run_scoped3A : memref<!tpu.dma_semaphore, #tpu.memory_space<semaphore_mem>>)
      %dma_wait3A = tpu.memref_slice %arg4[%mul3A_202] : memref<327680xf32, #tpu.memory_space<hbm>> -> memref<10240xf32, #tpu.memory_space<hbm>>
      %dma_wait3A_221 = tpu.memref_slice %arg4[%mul3A_202] : memref<327680xf32, #tpu.memory_space<hbm>> -> memref<10240xf32, #tpu.memory_space<hbm>>
      tpu.wait_dma2 semaphore(%run_scoped3A : memref<!tpu.dma_semaphore, #tpu.memory_space<semaphore_mem>>) src(%dma_wait3A_221 : memref<10240xf32, #tpu.memory_space<hbm>>) dst(%arg8 : memref<10240xf32, #tpu.memory_space<vmem>>)
      tpu.yield
    }) : () -> ()
    %barrier3A = arith.constant 0 : index
    tpu.barrier barrier_id(%barrier3A)
    %scan3A = arith.constant 0 : i32
    %scan3A_203 = arith.constant 0 : i32
    %scan3A_204 = arith.constant 80 : i32
    %scan3A_205 = arith.addi %scan3A_203, %scan3A_204 : i32
    %scan3A_206 = arith.constant 1 : i32
    scf.for %scan3A_220 = %scan3A_203 to %scan3A_205 step %scan3A_206  : i32 {
      %mul3A_221 = arith.constant 128 : i32
      %mul3A_222 = arith.muli %scan3A_220, %mul3A_221 : i32
      "tpu.region"() ({
        %run_scoped3A = tpu.sem_alloc : memref<!tpu.dma_semaphore, #tpu.memory_space<semaphore_mem>>
        %dma_start3A = tpu.memref_slice %arg7[%mul3A_222] : memref<10240xf32, #tpu.memory_space<vmem>> -> memref<128xf32, #tpu.memory_space<vmem>>
        %dma_start3A_225 = arith.constant 0 : i32
        %dma_start3A_226 = tpu.memref_slice %arg6[%scan3A_220, %dma_start3A_225] : memref<80x128xi32, #tpu.memory_space<vmem>> -> memref<1x128xi32, #tpu.memory_space<vmem>>
        %dma_start3A_227 = tpu.memref_squeeze %dma_start3A_226 : memref<1x128xi32, #tpu.memory_space<vmem>> -> memref<128xi32, #tpu.memory_space<vmem>>
        %dma_start3A_228 = arith.constant 0 : i32
        %dma_start3A_229 = tpu.memref_slice %arg11[%dma_start3A_228] : memref<10240xf32, #tpu.memory_space<vmem_shared>> -> memref<10240xf32, #tpu.memory_space<vmem_shared>>
        tpu.enqueue_indirect_dma source(%dma_start3A : memref<128xf32, #tpu.memory_space<vmem>>) target(%dma_start3A_229 : memref<10240xf32, #tpu.memory_space<vmem_shared>>) offsets(%dma_start3A_227 : memref<128xi32, #tpu.memory_space<vmem>>) semaphore(%run_scoped3A : memref<!tpu.dma_semaphore, #tpu.memory_space<semaphore_mem>>) {add = true}
        %dma_wait3A = tpu.memref_slice %arg7[%mul3A_222] : memref<10240xf32, #tpu.memory_space<vmem>> -> memref<128xf32, #tpu.memory_space<vmem>>
        %dma_wait3A_230 = arith.constant 0 : i32
        %dma_wait3A_231 = tpu.memref_slice %arg6[%scan3A_220, %dma_wait3A_230] : memref<80x128xi32, #tpu.memory_space<vmem>> -> memref<1x128xi32, #tpu.memory_space<vmem>>
        %dma_wait3A_232 = tpu.memref_squeeze %dma_wait3A_231 : memref<1x128xi32, #tpu.memory_space<vmem>> -> memref<128xi32, #tpu.memory_space<vmem>>
        %dma_wait3A_233 = arith.constant 0 : i32
        %dma_wait3A_234 = tpu.memref_slice %arg11[%dma_wait3A_233] : memref<10240xf32, #tpu.memory_space<vmem_shared>> -> memref<10240xf32, #tpu.memory_space<vmem_shared>>
        tpu.wait_indirect_dma semaphore(%run_scoped3A : memref<!tpu.dma_semaphore, #tpu.memory_space<semaphore_mem>>) src(%dma_wait3A : memref<128xf32, #tpu.memory_space<vmem>>) dst(%dma_wait3A_234 : memref<10240xf32, #tpu.memory_space<vmem_shared>>)
        tpu.yield
      }) : () -> ()
      %mul3A_223 = arith.constant 128 : i32
      %mul3A_224 = arith.muli %scan3A_220, %mul3A_223 : i32
      "tpu.region"() ({
        %run_scoped3A = tpu.sem_alloc : memref<!tpu.dma_semaphore, #tpu.memory_space<semaphore_mem>>
        %dma_start3A = tpu.memref_slice %arg8[%mul3A_224] : memref<10240xf32, #tpu.memory_space<vmem>> -> memref<128xf32, #tpu.memory_space<vmem>>
        %dma_start3A_225 = arith.constant 0 : i32
        %dma_start3A_226 = tpu.memref_slice %arg6[%scan3A_220, %dma_start3A_225] : memref<80x128xi32, #tpu.memory_space<vmem>> -> memref<1x128xi32, #tpu.memory_space<vmem>>
        %dma_start3A_227 = tpu.memref_squeeze %dma_start3A_226 : memref<1x128xi32, #tpu.memory_space<vmem>> -> memref<128xi32, #tpu.memory_space<vmem>>
        %dma_start3A_228 = arith.constant 0 : i32
        %dma_start3A_229 = tpu.memref_slice %arg12[%dma_start3A_228] : memref<10240xf32, #tpu.memory_space<vmem_shared>> -> memref<10240xf32, #tpu.memory_space<vmem_shared>>
        tpu.enqueue_indirect_dma source(%dma_start3A : memref<128xf32, #tpu.memory_space<vmem>>) target(%dma_start3A_229 : memref<10240xf32, #tpu.memory_space<vmem_shared>>) offsets(%dma_start3A_227 : memref<128xi32, #tpu.memory_space<vmem>>) semaphore(%run_scoped3A : memref<!tpu.dma_semaphore, #tpu.memory_space<semaphore_mem>>) {add = true}
        %dma_wait3A = tpu.memref_slice %arg8[%mul3A_224] : memref<10240xf32, #tpu.memory_space<vmem>> -> memref<128xf32, #tpu.memory_space<vmem>>
        %dma_wait3A_230 = arith.constant 0 : i32
        %dma_wait3A_231 = tpu.memref_slice %arg6[%scan3A_220, %dma_wait3A_230] : memref<80x128xi32, #tpu.memory_space<vmem>> -> memref<1x128xi32, #tpu.memory_space<vmem>>
        %dma_wait3A_232 = tpu.memref_squeeze %dma_wait3A_231 : memref<1x128xi32, #tpu.memory_space<vmem>> -> memref<128xi32, #tpu.memory_space<vmem>>
        %dma_wait3A_233 = arith.constant 0 : i32
        %dma_wait3A_234 = tpu.memref_slice %arg12[%dma_wait3A_233] : memref<10240xf32, #tpu.memory_space<vmem_shared>> -> memref<10240xf32, #tpu.memory_space<vmem_shared>>
        tpu.wait_indirect_dma semaphore(%run_scoped3A : memref<!tpu.dma_semaphore, #tpu.memory_space<semaphore_mem>>) src(%dma_wait3A : memref<128xf32, #tpu.memory_space<vmem>>) dst(%dma_wait3A_234 : memref<10240xf32, #tpu.memory_space<vmem_shared>>)
        tpu.yield
      }) : () -> ()
      "tpu.region"() ({
        %run_scoped3A = tpu.sem_alloc : memref<!tpu.dma_semaphore, #tpu.memory_space<semaphore_mem>>
        %dma_start3A = arith.constant 0 : i32
        %dma_start3A_225 = tpu.memref_slice %arg6[%scan3A_220, %dma_start3A] : memref<80x128xi32, #tpu.memory_space<vmem>> -> memref<1x128xi32, #tpu.memory_space<vmem>>
        %dma_start3A_226 = tpu.memref_squeeze %dma_start3A_225 : memref<1x128xi32, #tpu.memory_space<vmem>> -> memref<128xi32, #tpu.memory_space<vmem>>
        %dma_start3A_227 = arith.constant 0 : i32
        %dma_start3A_228 = tpu.memref_slice %arg13[%dma_start3A_227] : memref<10240xf32, #tpu.memory_space<vmem_shared>> -> memref<10240xf32, #tpu.memory_space<vmem_shared>>
        tpu.enqueue_indirect_dma source(%arg9 : memref<128xf32, #tpu.memory_space<vmem>>) target(%dma_start3A_228 : memref<10240xf32, #tpu.memory_space<vmem_shared>>) offsets(%dma_start3A_226 : memref<128xi32, #tpu.memory_space<vmem>>) semaphore(%run_scoped3A : memref<!tpu.dma_semaphore, #tpu.memory_space<semaphore_mem>>) {add = true}
        %dma_wait3A = arith.constant 0 : i32
        %dma_wait3A_229 = tpu.memref_slice %arg6[%scan3A_220, %dma_wait3A] : memref<80x128xi32, #tpu.memory_space<vmem>> -> memref<1x128xi32, #tpu.memory_space<vmem>>
        %dma_wait3A_230 = tpu.memref_squeeze %dma_wait3A_229 : memref<1x128xi32, #tpu.memory_space<vmem>> -> memref<128xi32, #tpu.memory_space<vmem>>
        %dma_wait3A_231 = arith.constant 0 : i32
        %dma_wait3A_232 = tpu.memref_slice %arg13[%dma_wait3A_231] : memref<10240xf32, #tpu.memory_space<vmem_shared>> -> memref<10240xf32, #tpu.memory_space<vmem_shared>>
        tpu.wait_indirect_dma semaphore(%run_scoped3A : memref<!tpu.dma_semaphore, #tpu.memory_space<semaphore_mem>>) src(%arg9 : memref<128xf32, #tpu.memory_space<vmem>>) dst(%dma_wait3A_232 : memref<10240xf32, #tpu.memory_space<vmem_shared>>)
        tpu.yield
      }) : () -> ()
    }
    %scan3A_207 = arith.constant 80 : i32
    %barrier3A_208 = arith.constant 0 : index
    tpu.barrier barrier_id(%barrier3A_208)
    %mul3A_209 = arith.constant 30720 : i32
    %mul3A_210 = arith.muli %arg0, %mul3A_209 : i32
    %mul3A_211 = arith.constant 640 : i32
    %mul3A_212 = arith.muli %arg1, %mul3A_211 : i32
    %add3A_213 = arith.addi %mul3A_210, %mul3A_212 : i32
    "tpu.region"() ({
      %run_scoped3A = tpu.sem_alloc : memref<!tpu.dma_semaphore, #tpu.memory_space<semaphore_mem>>
      %dma_start3A = tpu.memref_slice %arg5[%add3A_213] : memref<61440xf32, #tpu.memory_space<hbm>> -> memref<640xf32, #tpu.memory_space<hbm>>
      %dma_start3A_220 = tpu.memref_slice %arg11[%mul3A_196] : memref<10240xf32, #tpu.memory_space<vmem_shared>> -> memref<640xf32, #tpu.memory_space<vmem_shared>>
      tpu.enqueue_dma source(%dma_start3A_220 : memref<640xf32, #tpu.memory_space<vmem_shared>>) target(%dma_start3A : memref<640xf32, #tpu.memory_space<hbm>>) target_semaphore(%run_scoped3A : memref<!tpu.dma_semaphore, #tpu.memory_space<semaphore_mem>>)
      %dma_wait3A = tpu.memref_slice %arg5[%add3A_213] : memref<61440xf32, #tpu.memory_space<hbm>> -> memref<640xf32, #tpu.memory_space<hbm>>
      %dma_wait3A_221 = tpu.memref_slice %arg11[%mul3A_196] : memref<10240xf32, #tpu.memory_space<vmem_shared>> -> memref<640xf32, #tpu.memory_space<vmem_shared>>
      tpu.wait_dma2 semaphore(%run_scoped3A : memref<!tpu.dma_semaphore, #tpu.memory_space<semaphore_mem>>) src(%dma_wait3A_221 : memref<640xf32, #tpu.memory_space<vmem_shared>>) dst(%dma_wait3A : memref<640xf32, #tpu.memory_space<hbm>>)
      tpu.yield
    }) : () -> ()
    %add3A_214 = arith.constant 10240 : i32
    %add3A_215 = arith.addi %mul3A_210, %add3A_214 : i32
    %add3A_216 = arith.addi %add3A_215, %mul3A_212 : i32
    "tpu.region"() ({
      %run_scoped3A = tpu.sem_alloc : memref<!tpu.dma_semaphore, #tpu.memory_space<semaphore_mem>>
      %dma_start3A = tpu.memref_slice %arg5[%add3A_216] : memref<61440xf32, #tpu.memory_space<hbm>> -> memref<640xf32, #tpu.memory_space<hbm>>
      %dma_start3A_220 = tpu.memref_slice %arg12[%mul3A_196] : memref<10240xf32, #tpu.memory_space<vmem_shared>> -> memref<640xf32, #tpu.memory_space<vmem_shared>>
      tpu.enqueue_dma source(%dma_start3A_220 : memref<640xf32, #tpu.memory_space<vmem_shared>>) target(%dma_start3A : memref<640xf32, #tpu.memory_space<hbm>>) target_semaphore(%run_scoped3A : memref<!tpu.dma_semaphore, #tpu.memory_space<semaphore_mem>>)
      %dma_wait3A = tpu.memref_slice %arg5[%add3A_216] : memref<61440xf32, #tpu.memory_space<hbm>> -> memref<640xf32, #tpu.memory_space<hbm>>
      %dma_wait3A_221 = tpu.memref_slice %arg12[%mul3A_196] : memref<10240xf32, #tpu.memory_space<vmem_shared>> -> memref<640xf32, #tpu.memory_space<vmem_shared>>
      tpu.wait_dma2 semaphore(%run_scoped3A : memref<!tpu.dma_semaphore, #tpu.memory_space<semaphore_mem>>) src(%dma_wait3A_221 : memref<640xf32, #tpu.memory_space<vmem_shared>>) dst(%dma_wait3A : memref<640xf32, #tpu.memory_space<hbm>>)
      tpu.yield
    }) : () -> ()
    %add3A_217 = arith.constant 20480 : i32
    %add3A_218 = arith.addi %mul3A_210, %add3A_217 : i32
    %add3A_219 = arith.addi %add3A_218, %mul3A_212 : i32
    "tpu.region"() ({
      %run_scoped3A = tpu.sem_alloc : memref<!tpu.dma_semaphore, #tpu.memory_space<semaphore_mem>>
      %dma_start3A = tpu.memref_slice %arg5[%add3A_219] : memref<61440xf32, #tpu.memory_space<hbm>> -> memref<640xf32, #tpu.memory_space<hbm>>
      %dma_start3A_220 = tpu.memref_slice %arg13[%mul3A_196] : memref<10240xf32, #tpu.memory_space<vmem_shared>> -> memref<640xf32, #tpu.memory_space<vmem_shared>>
      tpu.enqueue_dma source(%dma_start3A_220 : memref<640xf32, #tpu.memory_space<vmem_shared>>) target(%dma_start3A : memref<640xf32, #tpu.memory_space<hbm>>) target_semaphore(%run_scoped3A : memref<!tpu.dma_semaphore, #tpu.memory_space<semaphore_mem>>)
      %dma_wait3A = tpu.memref_slice %arg5[%add3A_219] : memref<61440xf32, #tpu.memory_space<hbm>> -> memref<640xf32, #tpu.memory_space<hbm>>
      %dma_wait3A_221 = tpu.memref_slice %arg13[%mul3A_196] : memref<10240xf32, #tpu.memory_space<vmem_shared>> -> memref<640xf32, #tpu.memory_space<vmem_shared>>
      tpu.wait_dma2 semaphore(%run_scoped3A : memref<!tpu.dma_semaphore, #tpu.memory_space<semaphore_mem>>) src(%dma_wait3A_221 : memref<640xf32, #tpu.memory_space<vmem_shared>>) dst(%dma_wait3A : memref<640xf32, #tpu.memory_space<hbm>>)
      tpu.yield
    }) : () -> ()
    return
  }
}

#map = affine_map<(d0, d1) -> (0)>
module attributes {stable_mosaic.version = 14 : i64} {
  func.func @k(%arg0: i32, %arg1: i32, %arg2: memref<61440xf32, #tpu.memory_space<hbm>>, %arg3: memref<320000xi32, #tpu.memory_space<hbm>>, %arg4: memref<320000xf32, #tpu.memory_space<hbm>>, %arg5: memref<320000xf32, #tpu.memory_space<hbm>>, %arg6: memref<61440xf32, #tpu.memory_space<vmem>>, %arg7: memref<10240xf32, #tpu.memory_space<vmem>>, %arg8: memref<10240xf32, #tpu.memory_space<vmem>>, %arg9: memref<10000xi32, #tpu.memory_space<vmem>>, %arg10: memref<10000xf32, #tpu.memory_space<vmem>>, %arg11: memref<10000xf32, #tpu.memory_space<vmem>>) attributes {dimension_semantics = [#tpu.dimension_semantics<core_parallel>, #tpu.dimension_semantics<subcore_parallel>], iteration_bounds = array<i64: 2, 16>, scalar_prefetch = 0 : i64, scratch_operands = 6 : i64, tpu.core_type = #tpu.core_type<sc_vector_subcore>, window_params = [{transform_indices = #map}, {transform_indices = #map}, {transform_indices = #map}, {transform_indices = #map}]} {
    %mul3A = arith.constant 2 : i32
    %mul3A_0 = arith.muli %arg1, %mul3A : i32
    %add3A = arith.addi %mul3A_0, %arg0 : i32
    "tpu.region"() ({
      %run_scoped3A = tpu.sem_alloc : memref<!tpu.dma_semaphore, #tpu.memory_space<semaphore_mem>>
      tpu.enqueue_dma source(%arg2 : memref<61440xf32, #tpu.memory_space<hbm>>) target(%arg6 : memref<61440xf32, #tpu.memory_space<vmem>>) target_semaphore(%run_scoped3A : memref<!tpu.dma_semaphore, #tpu.memory_space<semaphore_mem>>)
      tpu.wait_dma2 semaphore(%run_scoped3A : memref<!tpu.dma_semaphore, #tpu.memory_space<semaphore_mem>>) src(%arg2 : memref<61440xf32, #tpu.memory_space<hbm>>) dst(%arg6 : memref<61440xf32, #tpu.memory_space<vmem>>)
      tpu.yield
    }) : () -> ()
    %mul3A_1 = arith.constant 10000 : i32
    %mul3A_2 = arith.muli %add3A, %mul3A_1 : i32
    "tpu.region"() ({
      %run_scoped3A = tpu.sem_alloc : memref<!tpu.dma_semaphore, #tpu.memory_space<semaphore_mem>>
      %dma_start3A = tpu.memref_slice %arg3[%mul3A_2] : memref<320000xi32, #tpu.memory_space<hbm>> -> memref<10000xi32, #tpu.memory_space<hbm>>
      %dma_start3A_18 = tpu.memref_slice %arg3[%mul3A_2] : memref<320000xi32, #tpu.memory_space<hbm>> -> memref<10000xi32, #tpu.memory_space<hbm>>
      tpu.enqueue_dma source(%dma_start3A_18 : memref<10000xi32, #tpu.memory_space<hbm>>) target(%arg9 : memref<10000xi32, #tpu.memory_space<vmem>>) target_semaphore(%run_scoped3A : memref<!tpu.dma_semaphore, #tpu.memory_space<semaphore_mem>>)
      %dma_wait3A = tpu.memref_slice %arg3[%mul3A_2] : memref<320000xi32, #tpu.memory_space<hbm>> -> memref<10000xi32, #tpu.memory_space<hbm>>
      %dma_wait3A_19 = tpu.memref_slice %arg3[%mul3A_2] : memref<320000xi32, #tpu.memory_space<hbm>> -> memref<10000xi32, #tpu.memory_space<hbm>>
      tpu.wait_dma2 semaphore(%run_scoped3A : memref<!tpu.dma_semaphore, #tpu.memory_space<semaphore_mem>>) src(%dma_wait3A_19 : memref<10000xi32, #tpu.memory_space<hbm>>) dst(%arg9 : memref<10000xi32, #tpu.memory_space<vmem>>)
      tpu.yield
    }) : () -> ()
    %scan3A = arith.constant 0 : i32
    %scan3A_3 = arith.constant 0 : i32
    %scan3A_4 = arith.constant 640 : i32
    %scan3A_5 = arith.addi %scan3A_3, %scan3A_4 : i32
    %scan3A_6 = arith.constant 1 : i32
    scf.for %scan3A_18 = %scan3A_3 to %scan3A_5 step %scan3A_6  : i32 {
      %mul3A_19 = arith.constant 16 : i32
      %mul3A_20 = arith.muli %scan3A_18, %mul3A_19 : i32
      %get3A = arith.index_cast %mul3A_20 : i32 to index
      %get3A_21 = tpu.vector_load %arg6[%get3A] {strides = array<i32>} : memref<61440xf32, #tpu.memory_space<vmem>>, vector<16xf32>,
      %add3A_22 = arith.constant 30720 : i32
      %add3A_23 = arith.addi %add3A_22, %mul3A_20 : i32
      %get3A_24 = arith.index_cast %add3A_23 : i32 to index
      %get3A_25 = tpu.vector_load %arg6[%get3A_24] {strides = array<i32>} : memref<61440xf32, #tpu.memory_space<vmem>>, vector<16xf32>,
      %add3A_26 = arith.addf %get3A_21, %get3A_25 : vector<16xf32>
      %add3A_27 = arith.constant 10240 : i32
      %add3A_28 = arith.addi %add3A_27, %mul3A_20 : i32
      %get3A_29 = arith.index_cast %add3A_28 : i32 to index
      %get3A_30 = tpu.vector_load %arg6[%get3A_29] {strides = array<i32>} : memref<61440xf32, #tpu.memory_space<vmem>>, vector<16xf32>,
      %add3A_31 = arith.constant 40960 : i32
      %add3A_32 = arith.addi %add3A_31, %mul3A_20 : i32
      %get3A_33 = arith.index_cast %add3A_32 : i32 to index
      %get3A_34 = tpu.vector_load %arg6[%get3A_33] {strides = array<i32>} : memref<61440xf32, #tpu.memory_space<vmem>>, vector<16xf32>,
      %add3A_35 = arith.addf %get3A_30, %get3A_34 : vector<16xf32>
      %add3A_36 = arith.constant 20480 : i32
      %add3A_37 = arith.addi %add3A_36, %mul3A_20 : i32
      %get3A_38 = arith.index_cast %add3A_37 : i32 to index
      %get3A_39 = tpu.vector_load %arg6[%get3A_38] {strides = array<i32>} : memref<61440xf32, #tpu.memory_space<vmem>>, vector<16xf32>,
      %add3A_40 = arith.constant 51200 : i32
      %add3A_41 = arith.addi %add3A_40, %mul3A_20 : i32
      %get3A_42 = arith.index_cast %add3A_41 : i32 to index
      %get3A_43 = tpu.vector_load %arg6[%get3A_42] {strides = array<i32>} : memref<61440xf32, #tpu.memory_space<vmem>>, vector<16xf32>,
      %add3A_44 = arith.addf %get3A_39, %get3A_43 : vector<16xf32>
      %mul3A_45 = arith.constant 1.280000e+02 : f32
      %mul3A_46 = vector.broadcast %mul3A_45 : f32 to vector<16xf32>
      %mul3A_47 = arith.mulf %add3A_44, %mul3A_46 : vector<16xf32>
      %max3A = arith.constant 1.000000e+00 : f32
      %max3A_48 = vector.broadcast %max3A : f32 to vector<16xf32>
      %max3A_49 = arith.maximumf %mul3A_47, %max3A_48 : vector<16xf32>
      %div3A = arith.divf %add3A_26, %max3A_49 : vector<16xf32>
      %div3A_50 = arith.divf %add3A_35, %max3A_49 : vector<16xf32>
      %mul3A_51 = arith.mulf %div3A, %div3A : vector<16xf32>
      %sub3A = arith.subf %div3A_50, %mul3A_51 : vector<16xf32>
      %swap3A = arith.index_cast %mul3A_20 : i32 to index
      %swap3A_52 = tpu.vector_load %arg7[%swap3A] {strides = array<i32>} : memref<10240xf32, #tpu.memory_space<vmem>>, vector<16xf32>,
      tpu.vector_store %arg7[%swap3A], %div3A {strides = array<i32>} : memref<10240xf32, #tpu.memory_space<vmem>>, vector<16xf32>,
      %swap3A_53 = arith.index_cast %mul3A_20 : i32 to index
      %swap3A_54 = tpu.vector_load %arg8[%swap3A_53] {strides = array<i32>} : memref<10240xf32, #tpu.memory_space<vmem>>, vector<16xf32>,
      tpu.vector_store %arg8[%swap3A_53], %sub3A {strides = array<i32>} : memref<10240xf32, #tpu.memory_space<vmem>>, vector<16xf32>,
    }
    %scan3A_7 = arith.constant 640 : i32
    %scan3A_8 = arith.constant 0 : i32
    %scan3A_9 = arith.constant 0 : i32
    %scan3A_10 = arith.constant 625 : i32
    %scan3A_11 = arith.addi %scan3A_9, %scan3A_10 : i32
    %scan3A_12 = arith.constant 1 : i32
    scf.for %scan3A_18 = %scan3A_9 to %scan3A_11 step %scan3A_12  : i32 {
      %mul3A_19 = arith.constant 16 : i32
      %mul3A_20 = arith.muli %scan3A_18, %mul3A_19 : i32
      %get3A = arith.index_cast %mul3A_20 : i32 to index
      %get3A_21 = tpu.vector_load %arg9[%get3A] {strides = array<i32>} : memref<10000xi32, #tpu.memory_space<vmem>>, vector<16xi32>,
      %gather3A = tpu.vector_load_idx %arg7[%get3A_21] : memref<10240xf32, #tpu.memory_space<vmem>>[vector<16xi32>], vector<16xf32>,
      %swap3A = arith.index_cast %mul3A_20 : i32 to index
      %swap3A_22 = tpu.vector_load %arg10[%swap3A] {strides = array<i32>} : memref<10000xf32, #tpu.memory_space<vmem>>, vector<16xf32>,
      tpu.vector_store %arg10[%swap3A], %gather3A {strides = array<i32>} : memref<10000xf32, #tpu.memory_space<vmem>>, vector<16xf32>,
      %gather3A_23 = tpu.vector_load_idx %arg8[%get3A_21] : memref<10240xf32, #tpu.memory_space<vmem>>[vector<16xi32>], vector<16xf32>,
      %swap3A_24 = arith.index_cast %mul3A_20 : i32 to index
      %swap3A_25 = tpu.vector_load %arg11[%swap3A_24] {strides = array<i32>} : memref<10000xf32, #tpu.memory_space<vmem>>, vector<16xf32>,
      tpu.vector_store %arg11[%swap3A_24], %gather3A_23 {strides = array<i32>} : memref<10000xf32, #tpu.memory_space<vmem>>, vector<16xf32>,
    }
    %scan3A_13 = arith.constant 625 : i32
    %mul3A_14 = arith.constant 10000 : i32
    %mul3A_15 = arith.muli %add3A, %mul3A_14 : i32
    "tpu.region"() ({
      %run_scoped3A = tpu.sem_alloc : memref<!tpu.dma_semaphore, #tpu.memory_space<semaphore_mem>>
      %dma_start3A = tpu.memref_slice %arg4[%mul3A_15] : memref<320000xf32, #tpu.memory_space<hbm>> -> memref<10000xf32, #tpu.memory_space<hbm>>
      %dma_start3A_18 = tpu.memref_slice %arg4[%mul3A_15] : memref<320000xf32, #tpu.memory_space<hbm>> -> memref<10000xf32, #tpu.memory_space<hbm>>
      tpu.enqueue_dma source(%arg10 : memref<10000xf32, #tpu.memory_space<vmem>>) target(%dma_start3A_18 : memref<10000xf32, #tpu.memory_space<hbm>>) target_semaphore(%run_scoped3A : memref<!tpu.dma_semaphore, #tpu.memory_space<semaphore_mem>>)
      %dma_wait3A = tpu.memref_slice %arg4[%mul3A_15] : memref<320000xf32, #tpu.memory_space<hbm>> -> memref<10000xf32, #tpu.memory_space<hbm>>
      %dma_wait3A_19 = tpu.memref_slice %arg4[%mul3A_15] : memref<320000xf32, #tpu.memory_space<hbm>> -> memref<10000xf32, #tpu.memory_space<hbm>>
      tpu.wait_dma2 semaphore(%run_scoped3A : memref<!tpu.dma_semaphore, #tpu.memory_space<semaphore_mem>>) src(%arg10 : memref<10000xf32, #tpu.memory_space<vmem>>) dst(%dma_wait3A_19 : memref<10000xf32, #tpu.memory_space<hbm>>)
      tpu.yield
    }) : () -> ()
    %mul3A_16 = arith.constant 10000 : i32
    %mul3A_17 = arith.muli %add3A, %mul3A_16 : i32
    "tpu.region"() ({
      %run_scoped3A = tpu.sem_alloc : memref<!tpu.dma_semaphore, #tpu.memory_space<semaphore_mem>>
      %dma_start3A = tpu.memref_slice %arg5[%mul3A_17] : memref<320000xf32, #tpu.memory_space<hbm>> -> memref<10000xf32, #tpu.memory_space<hbm>>
      %dma_start3A_18 = tpu.memref_slice %arg5[%mul3A_17] : memref<320000xf32, #tpu.memory_space<hbm>> -> memref<10000xf32, #tpu.memory_space<hbm>>
      tpu.enqueue_dma source(%arg11 : memref<10000xf32, #tpu.memory_space<vmem>>) target(%dma_start3A_18 : memref<10000xf32, #tpu.memory_space<hbm>>) target_semaphore(%run_scoped3A : memref<!tpu.dma_semaphore, #tpu.memory_space<semaphore_mem>>)
      %dma_wait3A = tpu.memref_slice %arg5[%mul3A_17] : memref<320000xf32, #tpu.memory_space<hbm>> -> memref<10000xf32, #tpu.memory_space<hbm>>
      %dma_wait3A_19 = tpu.memref_slice %arg5[%mul3A_17] : memref<320000xf32, #tpu.memory_space<hbm>> -> memref<10000xf32, #tpu.memory_space<hbm>>
      tpu.wait_dma2 semaphore(%run_scoped3A : memref<!tpu.dma_semaphore, #tpu.memory_space<semaphore_mem>>) src(%arg11 : memref<10000xf32, #tpu.memory_space<vmem>>) dst(%dma_wait3A_19 : memref<10000xf32, #tpu.memory_space<hbm>>)
      tpu.yield
    }) : () -> ()
    return
  }
}

module attributes {stable_mosaic.version = 14 : i64} {
  func.func @_rowstats_body(%arg0: i32, %arg1: memref<1600x128xf32, #tpu.memory_space<vmem>>, %arg2: memref<1600x1xf32, #tpu.memory_space<vmem>>, %arg3: memref<1600x1xf32, #tpu.memory_space<vmem>>) attributes {dimension_semantics = [#tpu.dimension_semantics<parallel>], iteration_bounds = array<i64: 200>, scalar_prefetch = 0 : i64, scratch_operands = 0 : i64, tpu.core_type = #tpu.core_type<tc>, window_params = [{transform_indices = @transform_0, window_bounds = array<i64: 1600, 128>}, {transform_indices = @transform_1, window_bounds = array<i64: 1600, 1>}, {transform_indices = @transform_2, window_bounds = array<i64: 1600, 1>}]} {
    %get3A = arith.constant 0 : index
    %get3A_0 = arith.constant 0 : index
    %get3A_1 = vector.load %arg1[%get3A, %get3A_0] : memref<1600x128xf32, #tpu.memory_space<vmem>>, vector<1600x128xf32>
    %reduce_sum3A = arith.constant dense<0.000000e+00> : vector<1600xf32>
    %reduce_sum3A_2 = vector.multi_reduction <add>, %get3A_1, %reduce_sum3A [1] : vector<1600x128xf32> to vector<1600xf32>
    %broadcast_in_dim3A = vector.shape_cast %reduce_sum3A_2 : vector<1600xf32> to vector<1600x1xf32>
    %swap3A = arith.constant 0 : index
    %swap3A_3 = arith.constant 0 : index
    %swap3A_4 = vector.load %arg2[%swap3A, %swap3A_3] : memref<1600x1xf32, #tpu.memory_space<vmem>>, vector<1600x1xf32>
    tpu.vector_store %arg2[%swap3A, %swap3A_3], %broadcast_in_dim3A {strides = array<i32>} : memref<1600x1xf32, #tpu.memory_space<vmem>>, vector<1600x1xf32>,
    %mul3A = arith.mulf %get3A_1, %get3A_1 : vector<1600x128xf32>
    %reduce_sum3A_5 = arith.constant dense<0.000000e+00> : vector<1600xf32>
    %reduce_sum3A_6 = vector.multi_reduction <add>, %mul3A, %reduce_sum3A_5 [1] : vector<1600x128xf32> to vector<1600xf32>
    %broadcast_in_dim3A_7 = vector.shape_cast %reduce_sum3A_6 : vector<1600xf32> to vector<1600x1xf32>
    %swap3A_8 = arith.constant 0 : index
    %swap3A_9 = arith.constant 0 : index
    %swap3A_10 = vector.load %arg3[%swap3A_8, %swap3A_9] : memref<1600x1xf32, #tpu.memory_space<vmem>>, vector<1600x1xf32>
    tpu.vector_store %arg3[%swap3A_8, %swap3A_9], %broadcast_in_dim3A_7 {strides = array<i32>} : memref<1600x1xf32, #tpu.memory_space<vmem>>, vector<1600x1xf32>,
    return
  }
  func.func @transform_0(%arg0: i32) -> (i32, i32) {
    %c0_i32 = arith.constant 0 : i32
    %c0_i32_0 = arith.constant 0 : i32
    return %arg0, %c0_i32 : i32, i32
  }
  func.func @transform_1(%arg0: i32) -> (i32, i32) {
    %c0_i32 = arith.constant 0 : i32
    %c0_i32_0 = arith.constant 0 : i32
    return %arg0, %c0_i32 : i32, i32
  }
  func.func @transform_2(%arg0: i32) -> (i32, i32) {
    %c0_i32 = arith.constant 0 : i32
    %c0_i32_0 = arith.constant 0 : i32
    return %arg0, %c0_i32 : i32, i32
  }
}

module attributes {stable_mosaic.version = 14 : i64} {
  func.func @_norm_body(%arg0: i32, %arg1: memref<1600x128xf32, #tpu.memory_space<vmem>>, %arg2: memref<1600x1xf32, #tpu.memory_space<vmem>>, %arg3: memref<1600x1xf32, #tpu.memory_space<vmem>>, %arg4: memref<1x128xf32, #tpu.memory_space<vmem>>, %arg5: memref<1x128xf32, #tpu.memory_space<vmem>>, %arg6: memref<1600x128xf32, #tpu.memory_space<vmem>>) attributes {dimension_semantics = [#tpu.dimension_semantics<parallel>], iteration_bounds = array<i64: 200>, scalar_prefetch = 0 : i64, scratch_operands = 0 : i64, tpu.core_type = #tpu.core_type<tc>, window_params = [{transform_indices = @transform_0, window_bounds = array<i64: 1600, 128>}, {transform_indices = @transform_1, window_bounds = array<i64: 1600, 1>}, {transform_indices = @transform_2, window_bounds = array<i64: 1600, 1>}, {pipeline_mode = #tpu.pipeline_mode<synchronous>, transform_indices = @transform_3, window_bounds = array<i64: 1, 128>}, {pipeline_mode = #tpu.pipeline_mode<synchronous>, transform_indices = @transform_4, window_bounds = array<i64: 1, 128>}, {transform_indices = @transform_5, window_bounds = array<i64: 1600, 128>}]} {
    %get3A = arith.constant 0 : index
    %get3A_0 = arith.constant 0 : index
    %get3A_1 = vector.load %arg1[%get3A, %get3A_0] : memref<1600x128xf32, #tpu.memory_space<vmem>>, vector<1600x128xf32>
    %get3A_2 = arith.constant 0 : index
    %get3A_3 = arith.constant 0 : index
    %get3A_4 = vector.load %arg3[%get3A_2, %get3A_3] : memref<1600x1xf32, #tpu.memory_space<vmem>>, vector<1600x1xf32>
    %add3A = arith.constant 9.99999974E-6 : f32
    %add3A_5 = vector.broadcast %add3A : f32 to vector<1600x1xf32>
    %add3A_6 = arith.addf %get3A_4, %add3A_5 : vector<1600x1xf32>
    %rsqrt3A = math.rsqrt %add3A_6 : vector<1600x1xf32>
    %get3A_7 = arith.constant 0 : index
    %get3A_8 = arith.constant 0 : index
    %get3A_9 = vector.load %arg2[%get3A_7, %get3A_8] : memref<1600x1xf32, #tpu.memory_space<vmem>>, vector<1600x1xf32>
    %sub3A = vector.broadcast %get3A_9 : vector<1600x1xf32> to vector<1600x128xf32>
    %sub3A_10 = arith.subf %get3A_1, %sub3A : vector<1600x128xf32>
    %mul3A = vector.broadcast %rsqrt3A : vector<1600x1xf32> to vector<1600x128xf32>
    %mul3A_11 = arith.mulf %sub3A_10, %mul3A : vector<1600x128xf32>
    %get3A_12 = arith.constant 0 : index
    %get3A_13 = arith.constant 0 : index
    %get3A_14 = vector.load %arg4[%get3A_12, %get3A_13] : memref<1x128xf32, #tpu.memory_space<vmem>>, vector<1x128xf32>
    %mul3A_15 = vector.broadcast %get3A_14 : vector<1x128xf32> to vector<1600x128xf32>
    %mul3A_16 = arith.mulf %mul3A_11, %mul3A_15 : vector<1600x128xf32>
    %get3A_17 = arith.constant 0 : index
    %get3A_18 = arith.constant 0 : index
    %get3A_19 = vector.load %arg5[%get3A_17, %get3A_18] : memref<1x128xf32, #tpu.memory_space<vmem>>, vector<1x128xf32>
    %add3A_20 = vector.broadcast %get3A_19 : vector<1x128xf32> to vector<1600x128xf32>
    %add3A_21 = arith.addf %mul3A_16, %add3A_20 : vector<1600x128xf32>
    %swap3A = arith.constant 0 : index
    %swap3A_22 = arith.constant 0 : index
    %swap3A_23 = vector.load %arg6[%swap3A, %swap3A_22] : memref<1600x128xf32, #tpu.memory_space<vmem>>, vector<1600x128xf32>
    tpu.vector_store %arg6[%swap3A, %swap3A_22], %add3A_21 {strides = array<i32>} : memref<1600x128xf32, #tpu.memory_space<vmem>>, vector<1600x128xf32>,
    return
  }
  func.func @transform_0(%arg0: i32) -> (i32, i32) {
    %c0_i32 = arith.constant 0 : i32
    %c0_i32_0 = arith.constant 0 : i32
    return %arg0, %c0_i32 : i32, i32
  }
  func.func @transform_1(%arg0: i32) -> (i32, i32) {
    %c0_i32 = arith.constant 0 : i32
    %c0_i32_0 = arith.constant 0 : i32
    return %arg0, %c0_i32 : i32, i32
  }
  func.func @transform_2(%arg0: i32) -> (i32, i32) {
    %c0_i32 = arith.constant 0 : i32
    %c0_i32_0 = arith.constant 0 : i32
    return %arg0, %c0_i32 : i32, i32
  }
  func.func @transform_3(%arg0: i32) -> (i32, i32) {
    %c0_i32 = arith.constant 0 : i32
    %c0_i32_0 = arith.constant 0 : i32
    %c0_i32_1 = arith.constant 0 : i32
    return %c0_i32, %c0_i32_0 : i32, i32
  }
  func.func @transform_4(%arg0: i32) -> (i32, i32) {
    %c0_i32 = arith.constant 0 : i32
    %c0_i32_0 = arith.constant 0 : i32
    %c0_i32_1 = arith.constant 0 : i32
    return %c0_i32, %c0_i32_0 : i32, i32
  }
  func.func @transform_5(%arg0: i32) -> (i32, i32) {
    %c0_i32 = arith.constant 0 : i32
    %c0_i32_0 = arith.constant 0 : i32
    return %arg0, %c0_i32 : i32, i32
  }
}

</mosaic_0001>

<sc_bundles>
// kernel: kernel.6.cloned.1.call-start
scs
__scs_entry_jumppad:
0x0: {  	(pc) =	sbr.rel $0x88, $3  }
0x1: {  	(tag) =	ssettag $0x0;
	lr =	simm.s32 $0x1  }
0x2: {  	[smem:$0x3F9D] =	sst lr;
	_ =	strace $0xD0000000  }
0x3: {  	_ = 	snop  }
0x4: {  	_ = 	snop  }
0x5: {  	_ = 	snop  }
0x6: {  	_ = 	snop  }
0x7: {  	_ = 	snop  }
__scs_overlays_trampoline_lowered:
0x8: {  	[smem:$0x3FAC] =	sst s0  }
0x9: {  	[smem:$0x3FAD] =	sst s1  }
0xa: {  	[smem:$0x3FAE] =	sst s2  }
0xb: {  	[smem:$0x3FAF] =	sst s3  }
0xc: {  	[smem:$0x3FB0] =	sst s4  }
0xd: {  	[smem:$0x3FB1] =	sst s5  }
0xe: {  	[smem:$0x3FB2] =	sst s6  }
0xf: {  	[smem:$0x3FB3] =	sst s7  }
0x10: {  	[smem:$0x3FB4] =	sst s8  }
0x11: {  	[smem:$0x3FB5] =	sst s9;
	s0 =	simm.s32 @!p0 $0x0  }
0x12: {  	s1 =	sld [smem:$0x3F9B];
	s0 =	simm.s32 @p0 $0x1  }
0x13: {  	[smem:$0x3FB6] =	sst s0;
	s0 =	simm.s32 @!p1 $0x0  }
0x14: {  	s2 =	sld [smem:$0x3F9A];
	s0 =	simm.s32 @p1 $0x1  }
0x15: {  	[smem:$0x3FB7] =	sst s0;
	s0 =	simm.s32 @!p2 $0x0  }
0x16: {  	s3 =	sld [smem:$0x3FDB];
	s0 =	simm.s32 @p2 $0x1  }
0x17: {  	s4 =	simm.s32 $0x1BF5;
	[smem:$0x3FB9] =	sst s0  }
0x18: {  	s0 =	sld [smem:$0x3F9C];
	_ =	swait.ge [sflag:s4], $0x0  }
0x19: {  	s7 =	sld [smem:$0x3F9D]  }
0x1a: {  	s8 =	sadd.s32 $0xFFFFE003, lr  }
0x1b: {  	s9 =	sadd.s32 $0xFFFFFEF7, lr;
	s5 =	simm.s32 $0xFFFFFFFF;
	p2 =	slt.u32 s8, $0xFFFFF086  }
0x1c: {  	p1 =	slt.u32 s9, $0xF7A;
	s5 =	simm.s32 @!p2 $0x0  }
0x1d: {  	s5 =	simm.s32 @p1 $0x1;
	p0 =	seq.s32 s7, s2  }
0x1e: {  	s7 =	smul.u32 @!p0 $0xF7A, s2;
	p2 =	seq.s32 @!p0 s5, $0x0  }
0x1f: {  	s9 =	smul.u32 $0xF7A, s1;
	s8 =	simm.s32 @!p0 $0x1BF5;
	p2 =	por !p2, p0  }
0x20: {  	[sflag:s8] =	ssyncset.s32 @!p0 $0xFFFFF086;
	s6 =	sadd.s32 @!p0 s3, s7;
	s7 =	simm.s32 @!p0 $0x108  }
0x21: {  	s3 =	sadd.s32 s3, s9;
	s6 =	sadd.s32 @!p0 $0x88, s6;
	s7 =	simm.s32 @p2 $0x1082  }
0x22: {  	[simem:s7], [sflag:s8] =	dma.local @!p0 [hbm:s6], $0xF7A  }
0x23: {  	s9 =	sor.u32 $0xD0000000, s2;
	s6 =	simm.s32 $0x108;
	_ =	swait.ge @!p0 [sflag:s8], $0x0  }
0x24: {  	s3 =	sadd.s32 $0x88, s3;
	s6 =	simm.s32 @!p1 $0x1082;
	[sflag:s4] =	ssyncset.s32 $0xFFFFF086  }
0x25: {  	[simem:s6], [sflag:s4] =	dma.local [hbm:s3], $0xF7A  }
0x26: {  	[smem:$0x3F9D] =	sst s1;
	(tag) =	ssettag s2;
	_ =	strace s9  }
0x27: {  	s1 =	sld [smem:$0x3FAD]  }
0x28: {  	s2 =	sld [smem:$0x3FAE]  }
0x29: {  	s4 =	sld [smem:$0x3FB0]  }
0x2a: {  	p0 =	seq.s32 s5, $0x0;
	s5 =	sld [smem:$0x3FB1]  }
0x2b: {  	s6 =	sld [smem:$0x3FB2]  }
0x2c: {  	s7 =	sld [smem:$0x3FB3]  }
0x2d: {  	s3 =	simm.s32 $0x108;
	s8 =	sld [smem:$0x3FB4]  }
0x2e: {  	s3 =	simm.s32 @!p0 $0x1082;
	s9 =	sld [smem:$0x3FB5]  }
0x2f: {  	lr =	sadd.s32 s0, s3;
	s0 =	sld [smem:$0x3FAC]  }
0x30: {  	s3 =	sld [smem:$0x3FAF]  }
0x31: {  	[smem:$0x3FB8] =	sst s10  }
0x32: {  	s10 =	sld [smem:$0x3FB6];
	_ =	sdelay $0x3  }
0x33: {  	p0 =	seq.s32 s10, $0x1;
	s10 =	sld [smem:$0x3FB8];
	_ =	sdelay $0x3  }
0x34: {  	[smem:$0x3FB8] =	sst s10  }
0x35: {  	s10 =	sld [smem:$0x3FB7];
	_ =	sdelay $0x3  }
0x36: {  	p1 =	seq.s32 s10, $0x1;
	s10 =	sld [smem:$0x3FB8];
	_ =	sdelay $0x3  }
0x37: {  	[smem:$0x3FB8] =	sst s10  }
0x38: {  	s10 =	sld [smem:$0x3FB9]  }
0x39: {  	_ = 	snop;
	(pc) =	sbr.ind lr, $3  }
0x3a: {  	_ = 	snop  }
0x3b: {  	_ = 	snop  }
0x3c: {  	p2 =	seq.s32 s10, $0x1;
	s10 =	sld [smem:$0x3FB8]  }
0x3d: {  	_ =	shalt  }
0x3e: {  	_ =	shalt  }
0x3f: {  	_ =	shalt  }
0x40: {  	_ =	shalt  }
0x41: {  	_ =	shalt  }
0x42: {  	_ =	shalt  }
0x43: {  	_ =	shalt  }
0x44: {  	_ =	shalt  }
0x45: {  	_ =	shalt  }
0x46: {  	_ =	shalt  }
0x47: {  	_ =	shalt  }
0x48: {  	_ =	shalt  }
0x49: {  	_ =	shalt  }
0x4a: {  	_ =	shalt  }
0x4b: {  	_ =	shalt  }
0x4c: {  	_ =	shalt  }
0x4d: {  	_ =	shalt  }
0x4e: {  	_ =	shalt  }
0x4f: {  	_ =	shalt  }
0x50: {  	_ =	shalt  }
0x51: {  	_ =	shalt  }
0x52: {  	_ =	shalt  }
0x53: {  	_ =	shalt  }
0x54: {  	_ =	shalt  }
0x55: {  	_ =	shalt  }
0x56: {  	_ =	shalt  }
0x57: {  	_ =	shalt  }
0x58: {  	_ =	shalt  }
0x59: {  	_ =	shalt  }
0x5a: {  	_ =	shalt  }
0x5b: {  	_ =	shalt  }
0x5c: {  	_ =	shalt  }
0x5d: {  	_ =	shalt  }
0x5e: {  	_ =	shalt  }
0x5f: {  	_ =	shalt  }
0x60: {  	_ =	shalt  }
0x61: {  	_ =	shalt  }
0x62: {  	_ =	shalt  }
0x63: {  	_ =	shalt  }
0x64: {  	_ =	shalt  }
0x65: {  	_ =	shalt  }
0x66: {  	_ =	shalt  }
0x67: {  	_ =	shalt  }
0x68: {  	_ =	shalt  }
0x69: {  	_ =	shalt  }
0x6a: {  	_ =	shalt  }
0x6b: {  	_ =	shalt  }
0x6c: {  	_ =	shalt  }
0x6d: {  	_ =	shalt  }
0x6e: {  	_ =	shalt  }
0x6f: {  	_ =	shalt  }
0x70: {  	_ =	shalt  }
0x71: {  	_ =	shalt  }
0x72: {  	_ =	shalt  }
0x73: {  	_ =	shalt  }
0x74: {  	_ =	shalt  }
0x75: {  	_ =	shalt  }
0x76: {  	_ =	shalt  }
0x77: {  	_ =	shalt  }
0x78: {  	_ =	shalt  }
0x79: {  	_ =	shalt  }
0x7a: {  	_ =	shalt  }
0x7b: {  	_ =	shalt  }
0x7c: {  	_ =	shalt  }
0x7d: {  	_ =	shalt  }
0x7e: {  	_ =	shalt  }
0x7f: {  	_ =	shalt  }
0x80: {  	_ =	shalt  }
0x81: {  	_ =	shalt  }
0x82: {  	_ =	shalt  }
0x83: {  	_ =	shalt  }
0x84: {  	_ =	shalt  }
0x85: {  	_ =	shalt  }
0x86: {  	_ =	shalt  }
0x87: {  	_ =	shalt  }
.Lfunc_end0:
.L_simem_size_0:
called_computation_lowered:
.L_overlay_start_0:
0x88: {  	s2 =	sld [smem:$0x3FD9]  }
0x89: {  	s3 =	sld [smem:$0x3FFE];
	_ =	sdelay $0x1  }
0x8a: {  	s1 =	srdreg.scid  }
0x8b: {  	s0 =	sand.u32 $0x1, s1  }
0x8c: {  	s17 =	sshll.u32 s0, $0xA;
	s2 =	sadd.s32 s3, s2  }
0x8d: {  	s2 =	sadd.s32 s2, s17  }
0x8e: {  	[smem:$0x3FC4] =	sst s2  }
0x8f: {  	_ = 	snop  }
0x90: {  	s2 =	sld [smem:$0x3FD0];
	(tm) =	ssettm $0x1  }
0x91: {  	s18 =	sld [smem:$0x3FFB];
	_ =	sdelay $0x3  }
0x92: {  	_ =	strace s18  }
0x93: {  	s3 =	sld [smem:$0x3FFC];
	_ =	sdelay $0x3  }
0x94: {  	_ =	strace s3  }
0x95: {  	s3 =	sld [smem:$0x3FFD];
	_ =	sdelay $0x3  }
0x96: {  	_ =	strace s3  }
0x97: {  	_ =	strace $0x8FFFFFFF  }
0x98: {  	s19 =	sld [smem:$0x3FDB];
	_ =	sdelay $0x1  }
0x99: {  	s4 =	simm.s32 $_scs_section_size  }
0x9a: {  	s5 =	simm.s32 $_size__tile_overlayer_lowered;
	s6 =	simm.s32 $_tile_overlayer_lowered  }
0x9b: {  	s22 =	simm.s32 $0x1BFF;
	s21 =	sshll.u32 s6, $0x1;
	s3 =	sadd.s32 s4, s19  }
0x9c: {  	s7 =	simm.s32 $0x0;
	s20 =	sshll.u32 s5, $0x1;
	s5 =	sadd.s32 s21, s3  }
0x9d: {  	[timem:s7], [sflag:s22] =	dma.local [hbm:s5], s20  }
0x9e: {  	_ =	swait.ge [sflag:s22], s20  }
0x9f: {  	s4 =	ssub.s32 $0x0, s20;
	[sflag:s22] =	ssyncset.done $0x0  }
0xa0: {  	[sflag:s22] =	ssyncadd.s32 s4;
	_ =	sdelay $0x1  }
0xa1: {  	s23 =	simm.s32 $0x1B8B  }
0xa2: {  	_ =	swait.ge [sflag:s23], $0x1  }
0xa3: {  	[sflag:s23] =	ssyncset.done $0x0  }
0xa4: {  	s25 =	simm.s32 $0x1B8E;
	s24 =	sld [smem:$0x3FFE];
	[sflag:s23] =	ssyncadd.s32 $0xFFFFFFFF  }
0xa5: {  	s26 =	simm.s32 $execute0_lowered;
	[smem:$0x3FD2] =	sst s25  }
0xa6: {  	s5 =	sshll.u32 s26, $0x1;
	_ =	strace $0x80000046;
	[dreg:$0x1] =	wrdreg $0xFFFFFFFF  }
0xa7: {  	s28 =	simm.s32 $_size_execute0_lowered;
	s3 =	sadd.s32 s3, s5;
	[dreg:$0x0] =	wrdreg $0x0  }
0xa8: {  	s5 =	sshll.u32 s28, $0x1;
	[dreg:$0x2] =	wrdreg s3  }
0xa9: {  	[dreg:$0x3] =	wrdreg s5  }
0xaa: {  	[dreg:$0x4] =	wrdreg $0xC0  }
0xab: {  	_ =	task [dreg:s7], $0x5FFFF  }
0xac: {  	[dreg:$0x1] =	wrdreg $0xFFFFFFFF  }
0xad: {  	[dreg:$0x0] =	wrdreg $0x60  }
0xae: {  	[dreg:$0x2] =	wrdreg s24  }
0xaf: {  	[dreg:$0x3] =	wrdreg s2  }
0xb0: {  	[dreg:$0x4] =	wrdreg $0x7B000  }
0xb1: {  	[dreg:$0x5] =	wrdreg $0x7D800  }
0xb2: {  	[dreg:$0x6] =	wrdreg $0x80000  }
0xb3: {  	[dreg:$0x7] =	wrdreg $0x9  }
0xb4: {  	_ =	task.clear_ibuf [dreg:s7], $0x8FFFF;
	_ =	strace $0x90000046  }
0xb5: {  	s29 =	simm.s32 $0x9;
	_ =	strace $0x80000048  }
0xb6: {  	_ =	swait.ge [sflag:s29], $0x1  }
0xb7: {  	[sflag:s29] =	ssyncadd.s32 $0xFFFFFFFF  }
0xb8: {  	_ =	strace $0x90000048  }
0xb9: {  	_ =	sfence  }
0xba: {  	s30 =	sld [smem:$0x0];
	_ =	sdelay $0x2  }
0xbb: {  	s31 =	sshll.u32 s1, $0xD;
	s1 =	sshrl.u32 s1, $0x2  }
0xbc: {  	s3 =	sand.u32 $0x4000, s31;
	s1 =	sadd.s32 s1, s30  }
0xbd: {  	s0 =	sor.u32 s3, s0;
	s1 =	sshll.u32 s1, $0x11  }
0xbe: {  	s0 =	sor.u32 s1, s0  }
0xbf: {  	s0 =	sadd.s32 $0x8F2B, s0  }
0xc0: {  	[sflag:s0] =	ssyncadd.remote.s32 $0x1  }
0xc1: {  	_ =	sfence.sel $0xFFFF  }
0xc2: {  	[dreg:$0x0] =	wrdreg $0xFFFFFFFF;
	(pc) =	sbr.abs _section_cstart, $3  }
0xc3: {  	[dreg:$0x1] =	wrdreg $0xFFFFFFFF  }
0xc4: {  	_ =	task.clear_ibuf [dreg:s7], $0x2FFFF;
	_ =	strace $0x9FFFFFFF  }
0xc5: {  	(tm) =	ssettm $0x7FFFFFFF  }
tec
execute0_lowered:
.L_overlay_start_1:
0x0: {  	(tag) =	ssettag $0x1  }
0x1: {  	s6 =	rddreg [dreg:$0x0]  }
0x2: {  	s10 =	rddreg [dreg:$0x1]  }
0x3: {  	s1 =	rddreg [dreg:$0x2]  }
0x4: {  	s2 =	srdreg.scid;
	s3 =	rddreg [dreg:$0x3]  }
0x5: {  	s0 =	stileid.u32;
	s4 =	rddreg [dreg:$0x4];
	s5 =	simm.s32 $0x0  }
0x6: {  	s16 =	simm.s32 $0x7880;
	s17 =	simm.s32 $0x1;
	s18 =	simm.s32 $0x2800  }
0x7: {  	s19 =	simm.s32 $0x5000;
	s20 =	simm.s32 $0x80;
	s21 =	simm.s32 $0x7800  }
0x8: {  	s24 =	simm.s32 $0x0;
	s7 =	sand.u32 $0x1, s2;
	s2 =	rddreg [dreg:$0x5]  }
0x9: {  	s8 =	smul.u32 $0x280, s0;
	s9 =	sshll.u32 s0, $0x1;
	[smem:$0x7FF] =	sst s5  }
0xa: {  	s22 =	sshll.u32 s0, $0x6;
	s11 =	smul.u32 $0x7800, s7;
	s9 =	sor.u32 s7, s9  }
0xb: {  	_ =	strace $0x80000047;
	s7 =	ssub.s32 $0x2, s7;
	s22 =	sor.u32 $0x1C01, s22  }
0xc: {  	s12 =	smul.u32 $0x500, s9;
	s31 =	sshrl.u32 s7, $0x1;
	s29 =	sadd.s32 s8, s11  }
0xd: {  	s15 =	ssub.s32 s7, s31;
	s7 =	sadd.s32 s8, s3;
	s9 =	sshrl.u32 s29, $0x3  }
0xe: {  	s30 =	sadd.s32 s12, s6;
	s10 =	sadd.s32 s10, s12;
	s15 =	smax.u32 s15, $0x1  }
0xf: {  	s14 =	sadd.s32 s9, s6;
	s6 =	sadd.s32 s8, s1;
	s8 =	sadd.s32 s8, s4  }
0x10: {  	s9 =	sadd.s32 $0xA00, s30;
	s11 =	sadd.s32 $0xAA00, s30;
	s12 =	sadd.s32 $0x14A00, s14  }
0x11: {  	v0 =	vimm.f32 $0.0e+00;
	v1 =	vimm.f32 $1.000000000e+00;
	s13 =	sadd.s32 $0x14F00, s14;
	s14 =	sadd.s32 $0x15400, s14;
	s23 =	sshrl.u32 s6, $0x3  }
.LBB2_1:
0x12: {  	[tilespmem:$0x7880] =	vst v0  }
0x13: {  	[tilespmem:$0x7890] =	vst v0  }
0x14: {  	[tilespmem:$0x78A0] =	vst v0  }
0x15: {  	[tilespmem:$0x78B0] =	vst v0  }
0x16: {  	[tilespmem:$0x78C0] =	vst v0  }
0x17: {  	[tilespmem:$0x78D0] =	vst v0  }
0x18: {  	[tilespmem:$0x78E0] =	vst v0  }
0x19: {  	[tilespmem:$0x78F0] =	vst v0  }
0x1a: {  	[tilespmem:$0x7900] =	vst v0  }
0x1b: {  	[tilespmem:$0x7910] =	vst v0  }
0x1c: {  	[tilespmem:$0x7920] =	vst v0  }
0x1d: {  	[tilespmem:$0x7930] =	vst v0  }
0x1e: {  	[tilespmem:$0x7940] =	vst v0  }
0x1f: {  	[tilespmem:$0x7950] =	vst v0  }
0x20: {  	[tilespmem:$0x7960] =	vst v0  }
0x21: {  	[tilespmem:$0x7970] =	vst v0  }
0x22: {  	[tilespmem:$0x7980] =	vst v0  }
0x23: {  	[tilespmem:$0x7990] =	vst v0  }
0x24: {  	[tilespmem:$0x79A0] =	vst v0  }
0x25: {  	[tilespmem:$0x79B0] =	vst v0  }
0x26: {  	[tilespmem:$0x79C0] =	vst v0  }
0x27: {  	[tilespmem:$0x79D0] =	vst v0  }
0x28: {  	[tilespmem:$0x79E0] =	vst v0  }
0x29: {  	[tilespmem:$0x79F0] =	vst v0  }
0x2a: {  	[tilespmem:$0x7A00] =	vst v0  }
0x2b: {  	[tilespmem:$0x7A10] =	vst v0  }
0x2c: {  	[tilespmem:$0x7A20] =	vst v0  }
0x2d: {  	[tilespmem:$0x7A30] =	vst v0  }
0x2e: {  	[tilespmem:$0x7A40] =	vst v0  }
0x2f: {  	[tilespmem:$0x7A50] =	vst v0  }
0x30: {  	[tilespmem:$0x7A60] =	vst v0  }
0x31: {  	[tilespmem:$0x7A70] =	vst v0  }
0x32: {  	[tilespmem:$0x7A80] =	vst v0  }
0x33: {  	[tilespmem:$0x7A90] =	vst v0  }
0x34: {  	[tilespmem:$0x7AA0] =	vst v0  }
0x35: {  	[tilespmem:$0x7AB0] =	vst v0  }
0x36: {  	[tilespmem:$0x7AC0] =	vst v0  }
0x37: {  	[tilespmem:$0x7AD0] =	vst v0  }
0x38: {  	[tilespmem:$0x7AE0] =	vst v0  }
0x39: {  	[tilespmem:$0x7AF0] =	vst v0  }
0x3a: {  	[tilespmem:$0x7800] =	vst v1  }
0x3b: {  	[tilespmem:$0x7810] =	vst v1  }
0x3c: {  	[tilespmem:$0x7820] =	vst v1  }
0x3d: {  	[tilespmem:$0x7830] =	vst v1  }
0x3e: {  	[tilespmem:$0x7840] =	vst v1  }
0x3f: {  	[tilespmem:$0x7850] =	vst v1  }
0x40: {  	[tilespmem:$0x7860] =	vst v1  }
0x41: {  	[tilespmem:$0x7870] =	vst v1  }
0x42: {  	[spmem:s6] =	stream.linear.scatter [tilespmem:s16], [sflag:$0x1], $0x280, $0x38;
	[tilespmem:$0x8280] =	vst v63  }
0x43: {  	_ =	swait.ge [sflag:s17], $0x280  }
0x44: {  	[sflag:s17] =	ssyncset.done $0x0  }
0x45: {  	[sflag:s17] =	ssyncadd.s32 $0xFFFFFD80  }
0x46: {  	[spmem:s7] =	stream.linear.scatter [tilespmem:s16], [sflag:$0x1], $0x280, $0x38;
	[tilespmem:$0x8280] =	vst v63  }
0x47: {  	_ =	swait.ge [sflag:s17], $0x280  }
0x48: {  	[sflag:s17] =	ssyncset.done $0x0  }
0x49: {  	[sflag:s17] =	ssyncadd.s32 $0xFFFFFD80  }
0x4a: {  	[spmem:s8] =	stream.linear.scatter [tilespmem:s16], [sflag:$0x1], $0x280, $0x38;
	[tilespmem:$0x8280] =	vst v63  }
0x4b: {  	_ =	swait.ge [sflag:s17], $0x280  }
0x4c: {  	[sflag:s17] =	ssyncset.done $0x0  }
0x4d: {  	[sflag:s17] =	ssyncadd.s32 $0xFFFFFD80  }
0x4e: {  	[tilespmem:s5], [sflag:$0x1] =	stream.linear.gather [hbm4b:s9+s5], $0x2800, $0x38;
	[tilespmem:$0x8280] =	vst v63  }
0x4f: {  	_ =	swait.ge [sflag:s17], $0x2800  }
0x50: {  	[sflag:s17] =	ssyncset.done $0x0  }
0x51: {  	[sflag:s17] =	ssyncadd.s32 $0xFFFFD800  }
0x52: {  	[tilespmem:s18], [sflag:$0x1] =	stream.linear.gather [hbm4b:s10+s5], $0x2800, $0x38;
	[tilespmem:$0x8280] =	vst v63  }
0x53: {  	_ =	swait.ge [sflag:s17], $0x2800  }
0x54: {  	[sflag:s17] =	ssyncset.done $0x0  }
0x55: {  	[sflag:s17] =	ssyncadd.s32 $0xFFFFD800  }
0x56: {  	[tilespmem:s19], [sflag:$0x1] =	stream.linear.gather [hbm4b:s11+s5], $0x2800, $0x38;
	[tilespmem:$0x8280] =	vst v63  }
0x57: {  	_ =	swait.ge [sflag:s17], $0x2800  }
0x58: {  	[sflag:s17] =	ssyncset.done $0x0  }
0x59: {  	[sflag:s17] =	ssyncadd.s32 $0xFFFFD800  }
0x5a: {  	s25 =	simm.s32 $0x0;
	s26 =	simm.s32 $0x2800;
	[bflag:$0x0] =	sbarrier.arrive $0xFFFF  }
0x5b: {  	[spmem:s1] =	stream.indirect.scatter.add.f32 [tilespmem:s26], [sflag:$0x1], $0x1, s25, s20, $0xb8;
	[tilespmem:$0x8280] =	vst v63  }
0x5c: {  	_ =	swait.ge [sflag:s17], $0x80  }
0x5d: {  	[sflag:s17] =	ssyncset.done $0x0  }
0x5e: {  	s31 =	simm.s32 $0x5000;
	[sflag:s17] =	ssyncadd.s32 $0xFFFFFF80  }
0x5f: {  	[spmem:s3] =	stream.indirect.scatter.add.f32 [tilespmem:s31], [sflag:$0x1], $0x1, s25, s20, $0xb8;
	[tilespmem:$0x8280] =	vst v63  }
0x60: {  	_ =	swait.ge [sflag:s17], $0x80  }
0x61: {  	[sflag:s17] =	ssyncset.done $0x0  }
0x62: {  	[sflag:s17] =	ssyncadd.s32 $0xFFFFFF80  }
0x63: {  	[spmem:s4] =	stream.indirect.scatter.add.f32 [tilespmem:s21], [sflag:$0x1], $0x1, s25, s20, $0xb8;
	[tilespmem:$0x8280] =	vst v63  }
0x64: {  	_ =	swait.ge [sflag:s17], $0x80  }
0x65: {  	s26 =	simm.s32 $0x400;
	s25 =	simm.s32 $0x80;
	[sflag:s17] =	ssyncset.done $0x0  }
.LBB2_2:
0x66: {  	s28 =	sadd.s32 $0x2800, s25  }
0x67: {  	[sflag:s17] =	ssyncadd.s32 $0xFFFFFF80;
	s29 =	smov.u32 s26;
	s30 =	sadd.s32 $0x200, s26  }
0x68: {  	[spmem:s1] =	stream.indirect.scatter.add.f32 [tilespmem:s28], [sflag:$0x1], $0x1, s25, s20, $0xb8;
	[tilespmem:$0x8280] =	vst v63  }
0x69: {  	p0 =	sne.s32 s26, $0x9E00;
	_ =	swait.ge [sflag:s17], $0x80  }
0x6a: {  	[sflag:s17] =	ssyncset.done $0x0  }
0x6b: {  	s26 =	sadd.s32 $0x5000, s25;
	[sflag:s17] =	ssyncadd.s32 $0xFFFFFF80  }
0x6c: {  	[spmem:s3] =	stream.indirect.scatter.add.f32 [tilespmem:s26], [sflag:$0x1], $0x1, s25, s20, $0xb8;
	[tilespmem:$0x8280] =	vst v63  }
0x6d: {  	_ =	swait.ge [sflag:s17], $0x80  }
.Ltmp0:
0x6e: {  	[sflag:s17] =	ssyncset.done $0x0;
	(pc) =	sbr.rel @p0 .LBB2_2-.Ltmp0, $4  }
0x6f: {  	[sflag:s17] =	ssyncadd.s32 $0xFFFFFF80  }
0x70: {  	[spmem:s4] =	stream.indirect.scatter.add.f32 [tilespmem:s21], [sflag:$0x1], $0x1, s25, s20, $0xb8;
	[tilespmem:$0x8280] =	vst v63  }
0x71: {  	_ =	swait.ge [sflag:s17], $0x80  }
0x72: {  	s26 =	smov.u32 s30;
	s25 =	sshra.s32 s29, $0x2;
	[sflag:s17] =	ssyncset.done $0x0  }
0x73: {  	s26 =	sadd.s32 $0x2800, s25;
	[sflag:s17] =	ssyncadd.s32 $0xFFFFFF80  }
0x74: {  	[spmem:s1] =	stream.indirect.scatter.add.f32 [tilespmem:s26], [sflag:$0x1], $0x1, s25, s20, $0xb8;
	[tilespmem:$0x8280] =	vst v63  }
0x75: {  	_ =	swait.ge [sflag:s17], $0x80  }
0x76: {  	[sflag:s17] =	ssyncset.done $0x0  }
0x77: {  	s29 =	sadd.s32 $0x5000, s25;
	[sflag:s17] =	ssyncadd.s32 $0xFFFFFF80  }
0x78: {  	[spmem:s3] =	stream.indirect.scatter.add.f32 [tilespmem:s29], [sflag:$0x1], $0x1, s25, s20, $0xb8;
	[tilespmem:$0x8280] =	vst v63  }
0x79: {  	_ =	swait.ge [sflag:s17], $0x80  }
0x7a: {  	[sflag:s17] =	ssyncset.done $0x0  }
0x7b: {  	[sflag:s17] =	ssyncadd.s32 $0xFFFFFF80  }
0x7c: {  	[spmem:s4] =	stream.indirect.scatter.add.f32 [tilespmem:s21], [sflag:$0x1], $0x1, s25, s20, $0xb8;
	[tilespmem:$0x8280] =	vst v63  }
0x7d: {  	_ =	swait.ge [sflag:s17], $0x80  }
0x7e: {  	[sflag:s17] =	ssyncset.done $0x0  }
0x7f: {  	[sflag:s17] =	ssyncadd.s32 $0xFFFFFF80  }
0x80: {  	[bflag:$0x0] =	sbarrier.arrive $0xFFFF  }
0x81: {  	[hbm:s12], [sflag:s22] =	dma.local [spmem:s23], $0x50  }
0x82: {  	_ =	swait.ge [sflag:s17], $0x50  }
0x83: {  	[sflag:s17] =	ssyncset.done $0x0  }
0x84: {  	s30 =	sshrl.u32 s7, $0x3;
	[sflag:s17] =	ssyncadd.s32 $0xFFFFFFB0  }
0x85: {  	[hbm:s13], [sflag:s22] =	dma.local [spmem:s30], $0x50  }
0x86: {  	s24 =	sadd.s32 $0x1, s24;
	_ =	swait.ge [sflag:s17], $0x50  }
0x87: {  	p0 =	sne.s32 s24, s15;
	[sflag:s17] =	ssyncset.done $0x0  }
.Ltmp1:
0x88: {  	s31 =	sshrl.u32 s8, $0x3;
	[sflag:s17] =	ssyncadd.s32 $0xFFFFFFB0;
	(pc) =	sbr.rel @p0 .LBB2_1-.Ltmp1, $4  }
0x89: {  	[hbm:s14], [sflag:s22] =	dma.local [spmem:s31], $0x50  }
0x8a: {  	_ =	swait.ge [sflag:s17], $0x50  }
0x8b: {  	[sflag:s17] =	ssyncset.done $0x0  }
0x8c: {  	[sflag:s17] =	ssyncadd.s32 $0xFFFFFFB0  }
0x8d: {  	_ =	sfence.sel $0x180000  }
0x8e: {  	[bflag:$0x0] =	sbarrier.arrive $0xFFFF  }
0x8f: {  	p0 =	sne.s32 s0, $0x0;
	_ =	strace $0x90000047  }
0x90: {  	s0 =	sadd.s32 @!p0 $0x100000, s2;
	[bflag:$0x2] =	sbarrier.arrive $0xFFFF  }
0x91: {  	[sflag:s0] =	ssyncadd.tile.s32 @!p0 $0x1;
	_ =	shalt  }
.Lfunc_end2:
_tile_overlayer_lowered:
.L_overlay_start_2:
0x92: {  	(tag) =	ssettag $0x2  }
0x93: {  	s0 =	rddreg [dreg:$0x0];
	s2 =	stileid.u32  }
0x94: {  	s1 =	rddreg [dreg:$0x1];
	p0 =	sne.s32 s2, $0x0  }
0x95: {  	s3 =	rddreg [dreg:$0x2];
	[bflag:$0x3] =	sbarrier.arrive $0xFFFF;
	s2 =	simm.s32 @!p0 $0x1C01  }
0x96: {  	[timem:s3], [sflag:s2] =	dma.local @!p0 [hbm:s0], s1  }
0x97: {  	s0 =	simm.s32 @!p0 $0x1  }
0x98: {  	_ =	swait.ge @!p0 [sflag:s0], s1  }
0x99: {  	s1 =	ssub.s32 @!p0 $0x0, s1;
	[sflag:s0] =	ssyncset.done @!p0 $0x0  }
0x9a: {  	[sflag:s0] =	ssyncadd.s32 @!p0 s1  }
0x9b: {  	[bflag:$0x3] =	sbarrier.arrive $0xFFFF  }
0x9c: {  	_ =	shalt  }

// kernel: kernel.9.cloned.1.call-start
scs
__scs_entry_jumppad:
0x0: {  	(pc) =	sbr.rel $0x88, $3  }
0x1: {  	(tag) =	ssettag $0x0;
	lr =	simm.s32 $0x1  }
0x2: {  	[smem:$0x3F9D] =	sst lr;
	_ =	strace $0xD0000000  }
0x3: {  	_ = 	snop  }
0x4: {  	_ = 	snop  }
0x5: {  	_ = 	snop  }
0x6: {  	_ = 	snop  }
0x7: {  	_ = 	snop  }
__scs_overlays_trampoline_lowered:
0x8: {  	[smem:$0x3FAC] =	sst s0  }
0x9: {  	[smem:$0x3FAD] =	sst s1  }
0xa: {  	[smem:$0x3FAE] =	sst s2  }
0xb: {  	[smem:$0x3FAF] =	sst s3  }
0xc: {  	[smem:$0x3FB0] =	sst s4  }
0xd: {  	[smem:$0x3FB1] =	sst s5  }
0xe: {  	[smem:$0x3FB2] =	sst s6  }
0xf: {  	[smem:$0x3FB3] =	sst s7  }
0x10: {  	[smem:$0x3FB4] =	sst s8  }
0x11: {  	[smem:$0x3FB5] =	sst s9;
	s0 =	simm.s32 @!p0 $0x0  }
0x12: {  	s1 =	sld [smem:$0x3F9B];
	s0 =	simm.s32 @p0 $0x1  }
0x13: {  	[smem:$0x3FB6] =	sst s0;
	s0 =	simm.s32 @!p1 $0x0  }
0x14: {  	s2 =	sld [smem:$0x3F9A];
	s0 =	simm.s32 @p1 $0x1  }
0x15: {  	[smem:$0x3FB7] =	sst s0;
	s0 =	simm.s32 @!p2 $0x0  }
0x16: {  	s3 =	sld [smem:$0x3FDB];
	s0 =	simm.s32 @p2 $0x1  }
0x17: {  	s4 =	simm.s32 $0x1BF5;
	[smem:$0x3FB9] =	sst s0  }
0x18: {  	s0 =	sld [smem:$0x3F9C];
	_ =	swait.ge [sflag:s4], $0x0  }
0x19: {  	s7 =	sld [smem:$0x3F9D]  }
0x1a: {  	s8 =	sadd.s32 $0xFFFFE003, lr  }
0x1b: {  	s9 =	sadd.s32 $0xFFFFFEF7, lr;
	s5 =	simm.s32 $0xFFFFFFFF;
	p2 =	slt.u32 s8, $0xFFFFF086  }
0x1c: {  	p1 =	slt.u32 s9, $0xF7A;
	s5 =	simm.s32 @!p2 $0x0  }
0x1d: {  	s5 =	simm.s32 @p1 $0x1;
	p0 =	seq.s32 s7, s2  }
0x1e: {  	s7 =	smul.u32 @!p0 $0xF7A, s2;
	p2 =	seq.s32 @!p0 s5, $0x0  }
0x1f: {  	s9 =	smul.u32 $0xF7A, s1;
	s8 =	simm.s32 @!p0 $0x1BF5;
	p2 =	por !p2, p0  }
0x20: {  	[sflag:s8] =	ssyncset.s32 @!p0 $0xFFFFF086;
	s6 =	sadd.s32 @!p0 s3, s7;
	s7 =	simm.s32 @!p0 $0x108  }
0x21: {  	s3 =	sadd.s32 s3, s9;
	s6 =	sadd.s32 @!p0 $0x88, s6;
	s7 =	simm.s32 @p2 $0x1082  }
0x22: {  	[simem:s7], [sflag:s8] =	dma.local @!p0 [hbm:s6], $0xF7A  }
0x23: {  	s9 =	sor.u32 $0xD0000000, s2;
	s6 =	simm.s32 $0x108;
	_ =	swait.ge @!p0 [sflag:s8], $0x0  }
0x24: {  	s3 =	sadd.s32 $0x88, s3;
	s6 =	simm.s32 @!p1 $0x1082;
	[sflag:s4] =	ssyncset.s32 $0xFFFFF086  }
0x25: {  	[simem:s6], [sflag:s4] =	dma.local [hbm:s3], $0xF7A  }
0x26: {  	[smem:$0x3F9D] =	sst s1;
	(tag) =	ssettag s2;
	_ =	strace s9  }
0x27: {  	s1 =	sld [smem:$0x3FAD]  }
0x28: {  	s2 =	sld [smem:$0x3FAE]  }
0x29: {  	s4 =	sld [smem:$0x3FB0]  }
0x2a: {  	p0 =	seq.s32 s5, $0x0;
	s5 =	sld [smem:$0x3FB1]  }
0x2b: {  	s6 =	sld [smem:$0x3FB2]  }
0x2c: {  	s7 =	sld [smem:$0x3FB3]  }
0x2d: {  	s3 =	simm.s32 $0x108;
	s8 =	sld [smem:$0x3FB4]  }
0x2e: {  	s3 =	simm.s32 @!p0 $0x1082;
	s9 =	sld [smem:$0x3FB5]  }
0x2f: {  	lr =	sadd.s32 s0, s3;
	s0 =	sld [smem:$0x3FAC]  }
0x30: {  	s3 =	sld [smem:$0x3FAF]  }
0x31: {  	[smem:$0x3FB8] =	sst s10  }
0x32: {  	s10 =	sld [smem:$0x3FB6];
	_ =	sdelay $0x3  }
0x33: {  	p0 =	seq.s32 s10, $0x1;
	s10 =	sld [smem:$0x3FB8];
	_ =	sdelay $0x3  }
0x34: {  	[smem:$0x3FB8] =	sst s10  }
0x35: {  	s10 =	sld [smem:$0x3FB7];
	_ =	sdelay $0x3  }
0x36: {  	p1 =	seq.s32 s10, $0x1;
	s10 =	sld [smem:$0x3FB8];
	_ =	sdelay $0x3  }
0x37: {  	[smem:$0x3FB8] =	sst s10  }
0x38: {  	s10 =	sld [smem:$0x3FB9]  }
0x39: {  	_ = 	snop;
	(pc) =	sbr.ind lr, $3  }
0x3a: {  	_ = 	snop  }
0x3b: {  	_ = 	snop  }
0x3c: {  	p2 =	seq.s32 s10, $0x1;
	s10 =	sld [smem:$0x3FB8]  }
0x3d: {  	_ =	shalt  }
0x3e: {  	_ =	shalt  }
0x3f: {  	_ =	shalt  }
0x40: {  	_ =	shalt  }
0x41: {  	_ =	shalt  }
0x42: {  	_ =	shalt  }
0x43: {  	_ =	shalt  }
0x44: {  	_ =	shalt  }
0x45: {  	_ =	shalt  }
0x46: {  	_ =	shalt  }
0x47: {  	_ =	shalt  }
0x48: {  	_ =	shalt  }
0x49: {  	_ =	shalt  }
0x4a: {  	_ =	shalt  }
0x4b: {  	_ =	shalt  }
0x4c: {  	_ =	shalt  }
0x4d: {  	_ =	shalt  }
0x4e: {  	_ =	shalt  }
0x4f: {  	_ =	shalt  }
0x50: {  	_ =	shalt  }
0x51: {  	_ =	shalt  }
0x52: {  	_ =	shalt  }
0x53: {  	_ =	shalt  }
0x54: {  	_ =	shalt  }
0x55: {  	_ =	shalt  }
0x56: {  	_ =	shalt  }
0x57: {  	_ =	shalt  }
0x58: {  	_ =	shalt  }
0x59: {  	_ =	shalt  }
0x5a: {  	_ =	shalt  }
0x5b: {  	_ =	shalt  }
0x5c: {  	_ =	shalt  }
0x5d: {  	_ =	shalt  }
0x5e: {  	_ =	shalt  }
0x5f: {  	_ =	shalt  }
0x60: {  	_ =	shalt  }
0x61: {  	_ =	shalt  }
0x62: {  	_ =	shalt  }
0x63: {  	_ =	shalt  }
0x64: {  	_ =	shalt  }
0x65: {  	_ =	shalt  }
0x66: {  	_ =	shalt  }
0x67: {  	_ =	shalt  }
0x68: {  	_ =	shalt  }
0x69: {  	_ =	shalt  }
0x6a: {  	_ =	shalt  }
0x6b: {  	_ =	shalt  }
0x6c: {  	_ =	shalt  }
0x6d: {  	_ =	shalt  }
0x6e: {  	_ =	shalt  }
0x6f: {  	_ =	shalt  }
0x70: {  	_ =	shalt  }
0x71: {  	_ =	shalt  }
0x72: {  	_ =	shalt  }
0x73: {  	_ =	shalt  }
0x74: {  	_ =	shalt  }
0x75: {  	_ =	shalt  }
0x76: {  	_ =	shalt  }
0x77: {  	_ =	shalt  }
0x78: {  	_ =	shalt  }
0x79: {  	_ =	shalt  }
0x7a: {  	_ =	shalt  }
0x7b: {  	_ =	shalt  }
0x7c: {  	_ =	shalt  }
0x7d: {  	_ =	shalt  }
0x7e: {  	_ =	shalt  }
0x7f: {  	_ =	shalt  }
0x80: {  	_ =	shalt  }
0x81: {  	_ =	shalt  }
0x82: {  	_ =	shalt  }
0x83: {  	_ =	shalt  }
0x84: {  	_ =	shalt  }
0x85: {  	_ =	shalt  }
0x86: {  	_ =	shalt  }
0x87: {  	_ =	shalt  }
.Lfunc_end0:
.L_simem_size_0:
called_computation.1_lowered:
.L_overlay_start_0:
0x88: {  	s2 =	sld [smem:$0x3FD9]  }
0x89: {  	s3 =	sld [smem:$0x3FFE];
	_ =	sdelay $0x1  }
0x8a: {  	s1 =	srdreg.scid  }
0x8b: {  	s0 =	sand.u32 $0x1, s1  }
0x8c: {  	s17 =	sshll.u32 s0, $0xA;
	s2 =	sadd.s32 s3, s2  }
0x8d: {  	s2 =	sadd.s32 s2, s17  }
0x8e: {  	[smem:$0x3FC4] =	sst s2  }
0x8f: {  	_ = 	snop  }
0x90: {  	s2 =	sld [smem:$0x3FC8]  }
0x91: {  	s18 =	sld [smem:$0x3FD0];
	(tm) =	ssettm $0x1  }
0x92: {  	s4 =	sld [smem:$0x3FFB];
	_ =	sdelay $0x3  }
0x93: {  	_ =	strace s4  }
0x94: {  	s4 =	sld [smem:$0x3FFC];
	_ =	sdelay $0x3  }
0x95: {  	_ =	strace s4  }
0x96: {  	s4 =	sld [smem:$0x3FFD];
	_ =	sdelay $0x3  }
0x97: {  	_ =	strace s4  }
0x98: {  	_ =	strace $0x8FFFFFFF  }
0x99: {  	s19 =	sld [smem:$0x3FDB];
	_ =	sdelay $0x1  }
0x9a: {  	s5 =	simm.s32 $_scs_section_size  }
0x9b: {  	s6 =	simm.s32 $_size__tile_overlayer_lowered;
	s7 =	simm.s32 $_tile_overlayer_lowered  }
0x9c: {  	s22 =	simm.s32 $0x1BFF;
	s21 =	sshll.u32 s7, $0x1;
	s4 =	sadd.s32 s5, s19  }
0x9d: {  	s8 =	simm.s32 $0x0;
	s20 =	sshll.u32 s6, $0x1;
	s6 =	sadd.s32 s21, s4  }
0x9e: {  	[timem:s8], [sflag:s22] =	dma.local [hbm:s6], s20  }
0x9f: {  	_ =	swait.ge [sflag:s22], s20  }
0xa0: {  	s5 =	ssub.s32 $0x0, s20;
	[sflag:s22] =	ssyncset.done $0x0  }
0xa1: {  	[sflag:s22] =	ssyncadd.s32 s5;
	_ =	sdelay $0x1  }
0xa2: {  	s23 =	simm.s32 $0x1B8B  }
0xa3: {  	_ =	swait.ge [sflag:s23], $0x1  }
0xa4: {  	[sflag:s23] =	ssyncset.done $0x0  }
0xa5: {  	s25 =	simm.s32 $0x1B8E;
	s24 =	sld [smem:$0x3FFE];
	[sflag:s23] =	ssyncadd.s32 $0xFFFFFFFF  }
0xa6: {  	s26 =	simm.s32 $execute0_lowered;
	[smem:$0x3FD2] =	sst s25  }
0xa7: {  	s6 =	sshll.u32 s26, $0x1;
	_ =	strace $0x80000049;
	[dreg:$0x1] =	wrdreg $0xFFFFFFFF  }
0xa8: {  	s28 =	simm.s32 $_size_execute0_lowered;
	s4 =	sadd.s32 s4, s6;
	[dreg:$0x0] =	wrdreg $0x0  }
0xa9: {  	s6 =	sshll.u32 s28, $0x1;
	[dreg:$0x2] =	wrdreg s4  }
0xaa: {  	[dreg:$0x3] =	wrdreg s6  }
0xab: {  	[dreg:$0x4] =	wrdreg $0xC0  }
0xac: {  	_ =	task [dreg:s8], $0x5FFFF  }
0xad: {  	[dreg:$0x1] =	wrdreg $0xFFFFFFFF  }
0xae: {  	[dreg:$0x0] =	wrdreg $0x60  }
0xaf: {  	[dreg:$0x2] =	wrdreg s24  }
0xb0: {  	[dreg:$0x3] =	wrdreg s2  }
0xb1: {  	[dreg:$0x4] =	wrdreg s18  }
0xb2: {  	[dreg:$0x5] =	wrdreg $0x9  }
0xb3: {  	_ =	task.clear_ibuf [dreg:s8], $0x6FFFF;
	_ =	strace $0x90000049  }
0xb4: {  	s29 =	simm.s32 $0x9;
	_ =	strace $0x8000004B  }
0xb5: {  	_ =	swait.ge [sflag:s29], $0x1  }
0xb6: {  	[sflag:s29] =	ssyncadd.s32 $0xFFFFFFFF  }
0xb7: {  	_ =	strace $0x9000004B  }
0xb8: {  	_ =	sfence  }
0xb9: {  	s30 =	sld [smem:$0x0];
	_ =	sdelay $0x2  }
0xba: {  	s31 =	sshll.u32 s1, $0xD;
	s1 =	sshrl.u32 s1, $0x2  }
0xbb: {  	s3 =	sand.u32 $0x4000, s31;
	s1 =	sadd.s32 s1, s30  }
0xbc: {  	s0 =	sor.u32 s3, s0;
	s1 =	sshll.u32 s1, $0x11  }
0xbd: {  	s0 =	sor.u32 s1, s0  }
0xbe: {  	s0 =	sadd.s32 $0x8F2B, s0  }
0xbf: {  	[sflag:s0] =	ssyncadd.remote.s32 $0x1  }
0xc0: {  	_ =	sfence.sel $0xFFFF  }
0xc1: {  	[dreg:$0x0] =	wrdreg $0xFFFFFFFF;
	(pc) =	sbr.abs _section_cstart, $3  }
0xc2: {  	[dreg:$0x1] =	wrdreg $0xFFFFFFFF  }
0xc3: {  	_ =	task.clear_ibuf [dreg:s8], $0x2FFFF;
	_ =	strace $0x9FFFFFFF  }
0xc4: {  	(tm) =	ssettm $0x7FFFFFFF  }
0xc5: {  	_ =	shalt  }
tec
execute0_lowered:
.L_overlay_start_1:
0x0: {  	(tag) =	ssettag $0x1  }
0x1: {  	s4 =	rddreg [dreg:$0x0]  }
0x2: {  	s5 =	rddreg [dreg:$0x1];
	s1 =	srdreg.scid  }
0x3: {  	s0 =	stileid.u32;
	s6 =	rddreg [dreg:$0x2]  }
0x4: {  	s2 =	simm.s32 $0x0;
	s10 =	simm.s32 $0xF000;
	s11 =	simm.s32 $0x11800  }
0x5: {  	s12 =	simm.s32 $0x16780;
	s3 =	sand.u32 $0x1, s1;
	s7 =	sshll.u32 s0, $0x1  }
0x6: {  	s13 =	simm.s32 $0x18F00;
	s14 =	simm.s32 $0x0;
	s7 =	sor.u32 s3, s7  }
0x7: {  	[smem:$0x7FF] =	sst s2;
	s8 =	ssub.s32 $0x2, s3;
	s7 =	smul.u32 $0x4E2, s7  }
0x8: {  	s1 =	rddreg [dreg:$0x3];
	_ =	strace $0x8000004A;
	s31 =	sshrl.u32 s8, $0x1  }
0x9: {  	s3 =	sadd.s32 $0x14A00, s4;
	s8 =	ssub.s32 s8, s31;
	s9 =	sadd.s32 s7, s4  }
0xa: {  	s4 =	sadd.s32 s5, s7;
	s5 =	sadd.s32 s6, s7;
	s7 =	smax.u32 s8, $0x1  }
0xb: {  	s8 =	simm.s32 $0x1;
	s6 =	sadd.s32 $0xA00, s9;
	s9 =	simm.s32 $0x14000  }
.LBB2_1:
0xc: {  	[tilespmem:s2], [sflag:$0x1] =	stream.linear.gather [hbm4b:s3+s2], $0xF000, $0x38;
	[tilespmem:$0x1B680] =	vst v63  }
0xd: {  	_ =	swait.ge [sflag:s8], $0xF000  }
0xe: {  	[sflag:s8] =	ssyncset.done $0x0  }
0xf: {  	[sflag:s8] =	ssyncadd.s32 $0xFFFF1000  }
0x10: {  	[tilespmem:s9], [sflag:$0x1] =	stream.linear.gather [hbm4b:s4+s2], $0x2710, $0x38;
	[tilespmem:$0x1B680] =	vst v63  }
0x11: {  	_ =	swait.ge [sflag:s8], $0x2710  }
0x12: {  	[sflag:s8] =	ssyncset.done $0x0  }
0x13: {  	s15 =	sand.u32 $0x3FF0, s2;
	[sflag:s8] =	ssyncadd.s32 $0xFFFFD8F0  }
0x14: {  	v0 =	vld [tilespmem:s15+$0xC800]  }
0x15: {  	v1 =	vld [tilespmem:s15+$0x5000];
	_ =	sdelay $0x4  }
0x16: {  	v0 =	vadd.f32 v0, v1;
	_ =	sdelay $0x1  }
0x17: {  	v0 =	vmul.f32 $1.280000000e+02, v0;
	_ =	sdelay $0x1  }
0x18: {  	v0 =	vmax.f32 v0, $1.000000000e+00  }
0x19: {  	(erf) = vrcp.f32 v0;
	_ =	sdelay $0x1  }
0x1a: {  	v1 =	vld [tilespmem:s2+$0x0]  }
0x1b: {  	v0 =	vld [tilespmem:s15+$0x7800]  }
0x1c: {  	v2 =	vld [tilespmem:s15+$0xA000]  }
0x1d: {  	v3 =	vld [tilespmem:s15+$0x2800];
	_ =	sdelay $0x2  }
0x1e: {  	v0 =	vadd.f32 v0, v1  }
0x1f: {  	v1 =	vpop (erf)  }
0x20: {  	v2 =	vadd.f32 v2, v3;
	v0 =	vmul.f32 v1, v0;
	_ =	sdelay $0x1  }
0x21: {  	v1 =	vmul.f32 v1, v2;
	v2 =	vmul.f32 v0, v0;
	_ =	sdelay $0x1  }
0x22: {  	v1 =	vsub.f32 v1, v2  }
0x23: {  	s31 =	simm.s32 $0x10;
	[tilespmem:s10+$0x0] =	vst v0  }
0x24: {  	s18 =	simm.s32 $0x20;
	s19 =	sand.u32 $0x3FF0, s31;
	[tilespmem:s11+$0x0] =	vst v1  }
0x25: {  	s17 =	simm.s32 $0x0;
	s16 =	simm.s32 $0xF000;
	s15 =	simm.s32 $0x11800;
	v0 =	vld [tilespmem:s19+$0xC800]  }
.LBB2_2:
0x26: {  	p0 =	sne.s32 s18, $0x27F0;
	v1 =	vld [tilespmem:s19+$0x5000];
	_ =	sdelay $0x4  }
0x27: {  	v0 =	vadd.f32 v0, v1;
	_ =	sdelay $0x1  }
0x28: {  	v0 =	vmul.f32 $1.280000000e+02, v0;
	_ =	sdelay $0x1  }
0x29: {  	v0 =	vmax.f32 v0, $1.000000000e+00  }
0x2a: {  	(erf) = vrcp.f32 v0;
	_ =	sdelay $0x1  }
0x2b: {  	s17 =	sadd.s32 $0x10, s17;
	v0 =	vld [tilespmem:s19+$0x7800]  }
0x2c: {  	v1 =	vld [tilespmem:s17+$0x0]  }
0x2d: {  	v2 =	vld [tilespmem:s19+$0xA000]  }
0x2e: {  	v3 =	vld [tilespmem:s19+$0x2800];
	_ =	sdelay $0x2  }
0x2f: {  	v0 =	vadd.f32 v0, v1  }
0x30: {  	v1 =	vpop (erf)  }
0x31: {  	v2 =	vadd.f32 v2, v3;
	v0 =	vmul.f32 v1, v0;
	_ =	sdelay $0x1  }
0x32: {  	v1 =	vmul.f32 v1, v2;
	v2 =	vmul.f32 v0, v0  }
.Ltmp0:
0x33: {  	(pc) =	sbr.rel @p0 .LBB2_2-.Ltmp0, $4  }
0x34: {  	s16 =	sadd.s32 $0x10, s16;
	v1 =	vsub.f32 v1, v2  }
0x35: {  	s15 =	sadd.s32 $0x10, s15;
	[tilespmem:s16+$0x0] =	vst v0  }
0x36: {  	s19 =	sand.u32 $0x3FF0, s18;
	[tilespmem:s15+$0x0] =	vst v1  }
0x37: {  	s18 =	sadd.s32 $0x10, s18;
	v0 =	vld [tilespmem:s19+$0xC800]  }
0x38: {  	v1 =	vld [tilespmem:s19+$0x5000];
	_ =	sdelay $0x4  }
0x39: {  	v0 =	vadd.f32 v0, v1;
	_ =	sdelay $0x1  }
0x3a: {  	v0 =	vmul.f32 $1.280000000e+02, v0;
	_ =	sdelay $0x1  }
0x3b: {  	v0 =	vmax.f32 v0, $1.000000000e+00  }
0x3c: {  	(erf) = vrcp.f32 v0  }
0x3d: {  	s17 =	sadd.s32 $0x10, s17  }
0x3e: {  	v1 =	vld [tilespmem:s17+$0x0]  }
0x3f: {  	v0 =	vld [tilespmem:s19+$0x7800]  }
0x40: {  	v2 =	vld [tilespmem:s19+$0xA000]  }
0x41: {  	v3 =	vld [tilespmem:s19+$0x2800];
	_ =	sdelay $0x2  }
0x42: {  	v0 =	vadd.f32 v0, v1  }
0x43: {  	v1 =	vpop (erf)  }
0x44: {  	v2 =	vadd.f32 v2, v3;
	v0 =	vmul.f32 v1, v0;
	_ =	sdelay $0x1  }
0x45: {  	v1 =	vmul.f32 v1, v2;
	v2 =	vmul.f32 v0, v0;
	_ =	sdelay $0x1  }
0x46: {  	s16 =	sadd.s32 $0x10, s16;
	v1 =	vsub.f32 v1, v2  }
0x47: {  	s15 =	sadd.s32 $0x10, s15;
	[tilespmem:s16+$0x0] =	vst v0  }
0x48: {  	[tilespmem:s15+$0x0] =	vst v1;
	s15 =	simm.s32 $0x0  }
0x49: {  	v0 =	vld [tilespmem:s15+$0x14000];
	_ =	sdelay $0x7  }
0x4a: {  	v1 =	vld.idx.msk [tilespmem:v0+s10+$0x0], $0xffff;
	_ =	sdelay $0x3  }
0x4b: {  	s17 =	simm.s32 $0x80;
	s16 =	simm.s32 $0x10  }
.LBB2_4:
0x4c: {  	p0 =	sne.s32 s17, $0x9C00;
	v2 =	vld [tilespmem:s16+$0x14000];
	[tilespmem:s15+$0x16780] =	vst v1  }
0x4d: {  	v1 =	vld.idx.msk [tilespmem:v0+s11+$0x0], $0xffff;
	_ =	sdelay $0x3  }
0x4e: {  	v0 =	vmov v2;
	_ =	sdelay $0x1  }
0x4f: {  	[tilespmem:s15+$0x18F00] =	vst v1;
	s15 =	smov.u32 s16  }
0x50: {  	v1 =	vld.idx.msk [tilespmem:v2+s10+$0x0], $0xffff  }
.Ltmp1:
0x51: {  	(pc) =	sbr.rel @p0 .LBB2_4-.Ltmp1, $2  }
0x52: {  	_ =	sdelay $0x2  }
0x53: {  	s16 =	sshra.s32 s17, $0x2;
	s17 =	sadd.s32 $0x40, s17  }
0x54: {  	_ =	sdelay $0x1  }
0x55: {  	v2 =	vld [tilespmem:s16+$0x14000]  }
0x56: {  	[tilespmem:s15+$0x16780] =	vst v1  }
0x57: {  	v0 =	vld.idx.msk [tilespmem:v0+s11+$0x0], $0xffff;
	_ =	sdelay $0x4  }
0x58: {  	[tilespmem:s15+$0x18F00] =	vst v0  }
0x59: {  	v0 =	vld.idx.msk [tilespmem:v2+s10+$0x0], $0xffff;
	_ =	sdelay $0x4  }
0x5a: {  	[tilespmem:s16+$0x16780] =	vst v0  }
0x5b: {  	v0 =	vld.idx.msk [tilespmem:v2+s11+$0x0], $0xffff;
	_ =	sdelay $0x4  }
0x5c: {  	[tilespmem:s16+$0x18F00] =	vst v0  }
0x5d: {  	[hbm4b:s5+s2] =	stream.linear.scatter [tilespmem:s12], [sflag:$0x1], $0x2710, $0x38;
	[tilespmem:$0x1B680] =	vst v63  }
0x5e: {  	s14 =	sadd.s32 $0x1, s14;
	_ =	swait.ge [sflag:s8], $0x2710  }
0x5f: {  	p0 =	sne.s32 s14, s7;
	[sflag:s8] =	ssyncset.done $0x0  }
.Ltmp2:
0x60: {  	[sflag:s8] =	ssyncadd.s32 $0xFFFFD8F0;
	(pc) =	sbr.rel @p0 .LBB2_1-.Ltmp2, $4  }
0x61: {  	[hbm4b:s6+s2] =	stream.linear.scatter [tilespmem:s13], [sflag:$0x1], $0x2710, $0x38;
	[tilespmem:$0x1B680] =	vst v63  }
0x62: {  	_ =	swait.ge [sflag:s8], $0x2710  }
0x63: {  	[sflag:s8] =	ssyncset.done $0x0  }
0x64: {  	[sflag:s8] =	ssyncadd.s32 $0xFFFFD8F0  }
0x65: {  	_ =	sfence.sel $0x180000  }
0x66: {  	[bflag:$0x0] =	sbarrier.arrive $0xFFFF  }
0x67: {  	p0 =	sne.s32 s0, $0x0;
	_ =	strace $0x9000004A  }
0x68: {  	s0 =	sadd.s32 @!p0 $0x100000, s1;
	[bflag:$0x2] =	sbarrier.arrive $0xFFFF  }
0x69: {  	[sflag:s0] =	ssyncadd.tile.s32 @!p0 $0x1;
	_ =	shalt  }
.Lfunc_end2:
_tile_overlayer_lowered:
.L_overlay_start_2:
0x6a: {  	(tag) =	ssettag $0x2  }
0x6b: {  	s0 =	rddreg [dreg:$0x0];
	s2 =	stileid.u32  }
0x6c: {  	s1 =	rddreg [dreg:$0x1];
	p0 =	sne.s32 s2, $0x0  }
0x6d: {  	s3 =	rddreg [dreg:$0x2];
	[bflag:$0x3] =	sbarrier.arrive $0xFFFF;
	s2 =	simm.s32 @!p0 $0x1C01  }
0x6e: {  	[timem:s3], [sflag:s2] =	dma.local @!p0 [hbm:s0], s1  }
0x6f: {  	s0 =	simm.s32 @!p0 $0x1  }
0x70: {  	_ =	swait.ge @!p0 [sflag:s0], s1  }
0x71: {  	s1 =	ssub.s32 @!p0 $0x0, s1;
	[sflag:s0] =	ssyncset.done @!p0 $0x0  }
0x72: {  	[sflag:s0] =	ssyncadd.s32 @!p0 s1  }
0x73: {  	[bflag:$0x3] =	sbarrier.arrive $0xFFFF  }
0x74: {  	_ =	shalt  }

</sc_bundles>
